<compile_context>
chip_gen: v7x
topology: tpu7x:2x2x1
jax: 0.10.2.dev20260603
libtpu: 0.0.44.dev20260713+nightly
codegen_flags: <defaults>
</compile_context>

<pallas_src>
import dataclasses
import functools

import jax
import jax.numpy as jnp
from jax import lax
from jax.experimental import pallas as pl
from jax.experimental.pallas import tpu as pltpu
from jax.experimental.pallas import tpu_sc as plsc

_TILE_B = 512
_N_WORKERS = 32


def _top2_kernel(x_ref, pt_ref, wcol_ref, win_ref):
    tb = x_ref.shape[0]
    n_proto = pt_ref.shape[1]

    wpt = pt_ref[...] * wcol_ref[...]
    pnorm = jnp.sum(pt_ref[...] * wpt, axis=0, keepdims=True)
    xf = x_ref[...]
    xh = xf.astype(jnp.bfloat16)
    xl = (xf - xh.astype(jnp.float32)).astype(jnp.bfloat16)
    wh = wpt.astype(jnp.bfloat16)
    wl = (wpt - wh.astype(jnp.float32)).astype(jnp.bfloat16)
    dn = (((1,), (0,)), ((), ()))
    mm = functools.partial(jax.lax.dot_general, dimension_numbers=dn,
                           preferred_element_type=jnp.float32)
    score = mm(xh, wh) + (mm(xh, wl) + mm(xl, wh)) + mm(xl, wl)
    g = pnorm - 2.0 * score

    iota = jax.lax.broadcasted_iota(jnp.int32, (tb, n_proto), 1)
    w1 = jnp.argmin(g, axis=1).astype(jnp.int32)[:, None]
    gm = jnp.where(iota == w1, jnp.inf, g)
    w2 = jnp.argmin(gm, axis=1).astype(jnp.int32)[:, None]

    win_ref[0, 0:1, :] = w1.T
    win_ref[0, 1:2, :] = w2.T


def _sc_refine(n_chunk, d_feat, chunks_per_tile, protos_hbm, pout_hbm,
               x_hbm, win_hbm, rel_hbm, out_hbm, rows1_v, rows2_v, pout_v,
               x_v, idx1_v, idx2_v, w_v, out_v, sem1, sem2, sem3, sem4,
               sem5):
    nc = jax.lax.axis_index("c")
    ns = jax.lax.axis_index("s")
    wid = ns * 2 + nc
    tile = wid // chunks_per_tile
    cof = (wid % chunks_per_tile) * n_chunk

    cpa = pltpu.async_copy(win_hbm.at[tile, 0, pl.ds(cof, n_chunk)], idx1_v,
                           sem1)
    cpb = pltpu.async_copy(win_hbm.at[tile, 1, pl.ds(cof, n_chunk)], idx2_v,
                           sem2)
    cpc = pltpu.async_copy(pout_hbm, pout_v, sem3)
    cpd = pltpu.async_copy(rel_hbm, w_v, sem4)
    cpe = pltpu.async_copy(x_hbm.at[pl.ds(wid * n_chunk, n_chunk)], x_v, sem5)
    cpa.wait()
    cpb.wait()
    cp1 = pltpu.async_copy(protos_hbm.at[idx1_v], rows1_v, sem1)
    cp2 = pltpu.async_copy(protos_hbm.at[idx2_v], rows2_v, sem2)
    cpd.wait()
    rel = w_v[...]
    w_v[...] = rel * rel
    wds = [plsc.load_gather(w_v, [jnp.full((16,), d, jnp.int32)])
           for d in range(d_feat)]
    cpc.wait()
    cpe.wait()
    cp1.wait()
    cp2.wait()

    zeros16 = jnp.zeros((16,), jnp.int32)

    @pl.loop(0, n_chunk // 16)
    def _group(i):
        off = pl.multiple_of(i * 16, 16)
        sl = pl.ds(off, 16)
        i1 = idx1_v[sl]
        i2 = idx2_v[sl]
        qloc = lax.iota(jnp.int32, 16) + off
        e1 = jnp.zeros((16,), jnp.float32)
        e2 = jnp.zeros((16,), jnp.float32)
        for d in range(d_feat):
            dcol = jnp.full((16,), d, jnp.int32)
            xd = plsc.load_gather(x_v, [qloc, dcol])
            p1d = plsc.load_gather(rows1_v, [qloc, dcol])
            p2d = plsc.load_gather(rows2_v, [qloc, dcol])
            t1 = xd - p1d
            t2 = xd - p2d
            e1 = e1 + (t1 * t1) * wds[d]
            e2 = e2 + (t2 * t2) * wds[d]
        take2 = (e2 < e1) | ((e2 == e1) & (i2 < i1))
        ch = jnp.where(take2, i2, i1)
        out_v[sl] = plsc.load_gather(pout_v, [ch, zeros16])

    base = wid * n_chunk
    pltpu.sync_copy(out_v, out_hbm.at[pl.ds(base, n_chunk)])


def kernel(x, prototypes, prototype_outputs, relevance):
    b = x.shape[0]
    od = prototype_outputs.shape[1]
    return _half(x, prototypes, prototype_outputs,
                 relevance).reshape(b, od)


def _half(x, prototypes, prototype_outputs, relevance):
    b, d_feat = x.shape
    n_proto = prototypes.shape[0]
    od = prototype_outputs.shape[1]

    w = relevance * relevance
    pt = prototypes.T
    wcol = w.reshape(d_feat, 1)

    tile_b = min(_TILE_B, b)
    n_tiles = b // tile_b
    n_chunk = b // _N_WORKERS
    chunks_per_tile = tile_b // n_chunk

    win = pl.pallas_call(
        _top2_kernel,
        grid=(n_tiles,),
        in_specs=[
            pl.BlockSpec((tile_b, d_feat), lambda i: (i, 0)),
            pl.BlockSpec((d_feat, n_proto), lambda i: (0, 0)),
            pl.BlockSpec((d_feat, 1), lambda i: (0, 0)),
        ],
        out_specs=pl.BlockSpec((1, 2, tile_b), lambda i: (i, 0, 0)),
        out_shape=jax.ShapeDtypeStruct((n_tiles, 2, tile_b), jnp.int32),
        compiler_params=pltpu.CompilerParams(
            dimension_semantics=("parallel",),
        ),
    )(x, pt, wcol)

    sc_params = pltpu.CompilerParams()
    fields = pltpu.CompilerParams.__dataclass_fields__
    if "needs_layout_passes" in fields:
        sc_params = dataclasses.replace(sc_params, needs_layout_passes=False)
    if "use_tc_tiling_on_sc" in fields:
        sc_params = dataclasses.replace(sc_params, use_tc_tiling_on_sc=False)
    mesh = plsc.VectorSubcoreMesh(core_axis_name="c", subcore_axis_name="s")
    refine = pl.kernel(
        functools.partial(_sc_refine, n_chunk, d_feat, chunks_per_tile),
        out_type=jax.ShapeDtypeStruct((b,), jnp.float32),
        mesh=mesh,
        scratch_types=[
            pltpu.VMEM((n_chunk, d_feat), jnp.float32),
            pltpu.VMEM((n_chunk, d_feat), jnp.float32),
            pltpu.VMEM((n_proto, od), jnp.float32),
            pltpu.VMEM((n_chunk, d_feat), jnp.float32),
            pltpu.VMEM((n_chunk,), jnp.int32),
            pltpu.VMEM((n_chunk,), jnp.int32),
            pltpu.VMEM((d_feat,), jnp.float32),
            pltpu.VMEM((n_chunk,), jnp.float32),
            pltpu.SemaphoreType.DMA,
            pltpu.SemaphoreType.DMA,
            pltpu.SemaphoreType.DMA,
            pltpu.SemaphoreType.DMA,
            pltpu.SemaphoreType.DMA,
        ],
        compiler_params=sc_params,
    )
    out_flat = refine(prototypes, prototype_outputs, x, win, relevance)
    return out_flat

# --- scband reference (transcript-rebuilt; emitter-appended) ---
"""Pipeline reference for scband-grlvq-17858474017285 (READ-ONLY COPY).

The authoritative reference and input builder live on the scoring server;
editing this copy changes nothing except your own understanding.
"""

import jax, jax.numpy as jnp
import numpy as np

INPUT_DIM = 16
NUM_PROTOTYPES = 1000
OUTPUT_DIM = 1
BATCH = 4096


def setup_inputs(seed: int = 0) -> dict:
    key = jax.random.key(seed)
    k1, k2, k3 = jax.random.split(key, 3)
    x = jax.random.normal(k1, (BATCH, INPUT_DIM), dtype=jnp.float32)
    prototypes = jax.random.normal(k2, (NUM_PROTOTYPES, INPUT_DIM), dtype=jnp.float32)
    prototype_outputs = jax.random.normal(k3, (NUM_PROTOTYPES, OUTPUT_DIM), dtype=jnp.float32)
    relevance = jnp.ones((INPUT_DIM,), dtype=jnp.float32)
    return {"x": x, "prototypes": prototypes, "prototype_outputs": prototype_outputs, "relevance": relevance}


def reference(x, prototypes, prototype_outputs, relevance):
    relevance_weights = relevance ** 2
    xe = x[:, None, :]                      # [B, 1, D]
    proto = prototypes[None, :, :]          # [1, P, D]
    dist = (((xe - proto) ** 2) * relevance_weights).sum(axis=2)  # [B, P]
    idx = jnp.argmin(dist, axis=1)          # [B]
    output = jnp.take(prototype_outputs, idx, axis=0)  # [B, output_dim]
    return output

if __name__ == "__main__":
    import jax
    _d = setup_inputs()
    print(jax.jit(kernel)(*tuple(_d.values())))

</pallas_src>

<mosaic_0001>
#map = affine_map<(d0, d1) -> (0, 0)>
#map1 = affine_map<(d0, d1) -> (0, 0, 0)>
#map2 = affine_map<(d0, d1) -> (0)>
module attributes {stable_mosaic.version = 14 : i64} {
  func.func @_sc_refine(%arg0: i32, %arg1: i32, %arg2: memref<1000x16xf32, #tpu.memory_space<hbm>>, %arg3: memref<1000x1xf32, #tpu.memory_space<hbm>>, %arg4: memref<4096x16xf32, #tpu.memory_space<hbm>>, %arg5: memref<8x2x512xi32, #tpu.memory_space<hbm>>, %arg6: memref<16xf32, #tpu.memory_space<hbm>>, %arg7: memref<4096xf32, #tpu.memory_space<hbm>>, %arg8: memref<128x16xf32, #tpu.memory_space<vmem>>, %arg9: memref<128x16xf32, #tpu.memory_space<vmem>>, %arg10: memref<1000x1xf32, #tpu.memory_space<vmem>>, %arg11: memref<128x16xf32, #tpu.memory_space<vmem>>, %arg12: memref<128xi32, #tpu.memory_space<vmem>>, %arg13: memref<128xi32, #tpu.memory_space<vmem>>, %arg14: memref<16xf32, #tpu.memory_space<vmem>>, %arg15: memref<128xf32, #tpu.memory_space<vmem>>, %arg16: memref<!tpu.dma_semaphore, #tpu.memory_space<semaphore_mem>>, %arg17: memref<!tpu.dma_semaphore, #tpu.memory_space<semaphore_mem>>, %arg18: memref<!tpu.dma_semaphore, #tpu.memory_space<semaphore_mem>>, %arg19: memref<!tpu.dma_semaphore, #tpu.memory_space<semaphore_mem>>, %arg20: memref<!tpu.dma_semaphore, #tpu.memory_space<semaphore_mem>>) attributes {dimension_semantics = [#tpu.dimension_semantics<core_parallel>, #tpu.dimension_semantics<subcore_parallel>], iteration_bounds = array<i64: 2, 16>, scalar_prefetch = 0 : i64, scratch_operands = 13 : i64, tpu.core_type = #tpu.core_type<sc_vector_subcore>, window_params = [{transform_indices = #map}, {transform_indices = #map}, {transform_indices = #map}, {transform_indices = #map1}, {transform_indices = #map2}, {transform_indices = #map2}]} {
    %mul3A = arith.constant 2 : i32
    %mul3A_0 = arith.muli %arg1, %mul3A : i32
    %add3A = arith.addi %mul3A_0, %arg0 : i32
    %jit3A = arith.constant 4 : i32
    %div3A = arith.divsi %add3A, %jit3A : i32
    %sign3A = arith.constant 0 : i32
    %sign3A_1 = arith.cmpi sgt, %add3A, %sign3A : i32
    %sign3A_2 = arith.extui %sign3A_1 : i1 to i32
    %sign3A_3 = arith.constant 0 : i32
    %sign3A_4 = arith.cmpi slt, %add3A, %sign3A_3 : i32
    %sign3A_5 = arith.extui %sign3A_4 : i1 to i32
    %sign3A_6 = arith.subi %sign3A_2, %sign3A_5 : i32
    %sign3A_7 = arith.constant 0 : i32
    %sign3A_8 = arith.cmpi sgt, %jit3A, %sign3A_7 : i32
    %sign3A_9 = arith.extui %sign3A_8 : i1 to i32
    %sign3A_10 = arith.constant 0 : i32
    %sign3A_11 = arith.cmpi slt, %jit3A, %sign3A_10 : i32
    %sign3A_12 = arith.extui %sign3A_11 : i1 to i32
    %sign3A_13 = arith.subi %sign3A_9, %sign3A_12 : i32
    %ne3A = arith.cmpi ne, %sign3A_6, %sign3A_13 : i32
    %rem3A = arith.remsi %add3A, %jit3A : i32
    %ne3A_14 = arith.constant 0 : i32
    %ne3A_15 = arith.cmpi ne, %rem3A, %ne3A_14 : i32
    %and3A = arith.andi %ne3A, %ne3A_15 : i1
    %sub3A = arith.constant 1 : i32
    %sub3A_16 = arith.subi %div3A, %sub3A : i32
    %select_n3A = arith.select %and3A, %sub3A_16, %div3A : i32
    %jit3A_17 = arith.constant 4 : i32
    %eq3A = arith.constant 0 : i32
    %eq3A_18 = arith.cmpi eq, %jit3A_17, %eq3A : i32
    %jit3A_19 = arith.constant 1 : i32
    %select_n3A_20 = arith.select %eq3A_18, %jit3A_19, %jit3A_17 : i32
    %rem3A_21 = arith.remsi %add3A, %select_n3A_20 : i32
    %ne3A_22 = arith.constant 0 : i32
    %ne3A_23 = arith.cmpi ne, %rem3A_21, %ne3A_22 : i32
    %lt3A = arith.constant 0 : i32
    %lt3A_24 = arith.cmpi slt, %rem3A_21, %lt3A : i32
    %lt3A_25 = arith.constant 0 : i32
    %lt3A_26 = arith.cmpi slt, %select_n3A_20, %lt3A_25 : i32
    %ne3A_27 = arith.xori %lt3A_24, %lt3A_26 : i1
    %and3A_28 = arith.andi %ne3A_27, %ne3A_23 : i1
    %add3A_29 = arith.addi %rem3A_21, %select_n3A_20 : i32
    %select_n3A_30 = arith.select %and3A_28, %add3A_29, %rem3A_21 : i32
    %mul3A_31 = arith.constant 128 : i32
    %mul3A_32 = arith.muli %select_n3A_30, %mul3A_31 : i32
    %dma_start3A = arith.constant 0 : i32
    %dma_start3A_33 = tpu.memref_slice %arg5[%select_n3A, %dma_start3A, %mul3A_32] : memref<8x2x512xi32, #tpu.memory_space<hbm>> -> memref<1x1x128xi32, #tpu.memory_space<hbm>>
    %dma_start3A_34 = tpu.memref_squeeze %dma_start3A_33 : memref<1x1x128xi32, #tpu.memory_space<hbm>> -> memref<128xi32, #tpu.memory_space<hbm>>
    %dma_start3A_35 = tpu.memref_slice %arg5[%select_n3A, %dma_start3A, %mul3A_32] : memref<8x2x512xi32, #tpu.memory_space<hbm>> -> memref<1x1x128xi32, #tpu.memory_space<hbm>>
    %dma_start3A_36 = tpu.memref_squeeze %dma_start3A_35 : memref<1x1x128xi32, #tpu.memory_space<hbm>> -> memref<128xi32, #tpu.memory_space<hbm>>
    tpu.enqueue_dma source(%dma_start3A_36 : memref<128xi32, #tpu.memory_space<hbm>>) target(%arg12 : memref<128xi32, #tpu.memory_space<vmem>>) target_semaphore(%arg16 : memref<!tpu.dma_semaphore, #tpu.memory_space<semaphore_mem>>)
    %dma_start3A_37 = arith.constant 1 : i32
    %dma_start3A_38 = tpu.memref_slice %arg5[%select_n3A, %dma_start3A_37, %mul3A_32] : memref<8x2x512xi32, #tpu.memory_space<hbm>> -> memref<1x1x128xi32, #tpu.memory_space<hbm>>
    %dma_start3A_39 = tpu.memref_squeeze %dma_start3A_38 : memref<1x1x128xi32, #tpu.memory_space<hbm>> -> memref<128xi32, #tpu.memory_space<hbm>>
    %dma_start3A_40 = tpu.memref_slice %arg5[%select_n3A, %dma_start3A_37, %mul3A_32] : memref<8x2x512xi32, #tpu.memory_space<hbm>> -> memref<1x1x128xi32, #tpu.memory_space<hbm>>
    %dma_start3A_41 = tpu.memref_squeeze %dma_start3A_40 : memref<1x1x128xi32, #tpu.memory_space<hbm>> -> memref<128xi32, #tpu.memory_space<hbm>>
    tpu.enqueue_dma source(%dma_start3A_41 : memref<128xi32, #tpu.memory_space<hbm>>) target(%arg13 : memref<128xi32, #tpu.memory_space<vmem>>) target_semaphore(%arg17 : memref<!tpu.dma_semaphore, #tpu.memory_space<semaphore_mem>>)
    tpu.enqueue_dma source(%arg3 : memref<1000x1xf32, #tpu.memory_space<hbm>>) target(%arg10 : memref<1000x1xf32, #tpu.memory_space<vmem>>) target_semaphore(%arg18 : memref<!tpu.dma_semaphore, #tpu.memory_space<semaphore_mem>>)
    tpu.enqueue_dma source(%arg6 : memref<16xf32, #tpu.memory_space<hbm>>) target(%arg14 : memref<16xf32, #tpu.memory_space<vmem>>) target_semaphore(%arg19 : memref<!tpu.dma_semaphore, #tpu.memory_space<semaphore_mem>>)
    %mul3A_42 = arith.constant 128 : i32
    %mul3A_43 = arith.muli %add3A, %mul3A_42 : i32
    %dma_start3A_44 = arith.constant 0 : i32
    %dma_start3A_45 = tpu.memref_slice %arg4[%mul3A_43, %dma_start3A_44] : memref<4096x16xf32, #tpu.memory_space<hbm>> -> memref<128x16xf32, #tpu.memory_space<hbm>>
    %dma_start3A_46 = arith.constant 0 : i32
    %dma_start3A_47 = tpu.memref_slice %arg4[%mul3A_43, %dma_start3A_46] : memref<4096x16xf32, #tpu.memory_space<hbm>> -> memref<128x16xf32, #tpu.memory_space<hbm>>
    tpu.enqueue_dma source(%dma_start3A_47 : memref<128x16xf32, #tpu.memory_space<hbm>>) target(%arg11 : memref<128x16xf32, #tpu.memory_space<vmem>>) target_semaphore(%arg20 : memref<!tpu.dma_semaphore, #tpu.memory_space<semaphore_mem>>)
    %dma_wait3A = arith.constant 0 : i32
    %dma_wait3A_48 = tpu.memref_slice %arg5[%select_n3A, %dma_wait3A, %mul3A_32] : memref<8x2x512xi32, #tpu.memory_space<hbm>> -> memref<1x1x128xi32, #tpu.memory_space<hbm>>
    %dma_wait3A_49 = tpu.memref_squeeze %dma_wait3A_48 : memref<1x1x128xi32, #tpu.memory_space<hbm>> -> memref<128xi32, #tpu.memory_space<hbm>>
    %dma_wait3A_50 = tpu.memref_slice %arg5[%select_n3A, %dma_wait3A, %mul3A_32] : memref<8x2x512xi32, #tpu.memory_space<hbm>> -> memref<1x1x128xi32, #tpu.memory_space<hbm>>
    %dma_wait3A_51 = tpu.memref_squeeze %dma_wait3A_50 : memref<1x1x128xi32, #tpu.memory_space<hbm>> -> memref<128xi32, #tpu.memory_space<hbm>>
    tpu.wait_dma2 semaphore(%arg16 : memref<!tpu.dma_semaphore, #tpu.memory_space<semaphore_mem>>) src(%dma_wait3A_51 : memref<128xi32, #tpu.memory_space<hbm>>) dst(%arg12 : memref<128xi32, #tpu.memory_space<vmem>>)
    %dma_wait3A_52 = arith.constant 1 : i32
    %dma_wait3A_53 = tpu.memref_slice %arg5[%select_n3A, %dma_wait3A_52, %mul3A_32] : memref<8x2x512xi32, #tpu.memory_space<hbm>> -> memref<1x1x128xi32, #tpu.memory_space<hbm>>
    %dma_wait3A_54 = tpu.memref_squeeze %dma_wait3A_53 : memref<1x1x128xi32, #tpu.memory_space<hbm>> -> memref<128xi32, #tpu.memory_space<hbm>>
    %dma_wait3A_55 = tpu.memref_slice %arg5[%select_n3A, %dma_wait3A_52, %mul3A_32] : memref<8x2x512xi32, #tpu.memory_space<hbm>> -> memref<1x1x128xi32, #tpu.memory_space<hbm>>
    %dma_wait3A_56 = tpu.memref_squeeze %dma_wait3A_55 : memref<1x1x128xi32, #tpu.memory_space<hbm>> -> memref<128xi32, #tpu.memory_space<hbm>>
    tpu.wait_dma2 semaphore(%arg17 : memref<!tpu.dma_semaphore, #tpu.memory_space<semaphore_mem>>) src(%dma_wait3A_56 : memref<128xi32, #tpu.memory_space<hbm>>) dst(%arg13 : memref<128xi32, #tpu.memory_space<vmem>>)
    %dma_start3A_57 = arith.constant 0 : i32
    %dma_start3A_58 = arith.constant 0 : i32
    %dma_start3A_59 = tpu.memref_slice %arg2[%dma_start3A_57, %dma_start3A_58] : memref<1000x16xf32, #tpu.memory_space<hbm>> -> memref<1000x16xf32, #tpu.memory_space<hbm>>
    tpu.enqueue_indirect_dma source(%dma_start3A_59 : memref<1000x16xf32, #tpu.memory_space<hbm>>) target(%arg8 : memref<128x16xf32, #tpu.memory_space<vmem>>) offsets(%arg12 : memref<128xi32, #tpu.memory_space<vmem>>) semaphore(%arg16 : memref<!tpu.dma_semaphore, #tpu.memory_space<semaphore_mem>>)
    %dma_start3A_60 = arith.constant 0 : i32
    %dma_start3A_61 = arith.constant 0 : i32
    %dma_start3A_62 = tpu.memref_slice %arg2[%dma_start3A_60, %dma_start3A_61] : memref<1000x16xf32, #tpu.memory_space<hbm>> -> memref<1000x16xf32, #tpu.memory_space<hbm>>
    tpu.enqueue_indirect_dma source(%dma_start3A_62 : memref<1000x16xf32, #tpu.memory_space<hbm>>) target(%arg9 : memref<128x16xf32, #tpu.memory_space<vmem>>) offsets(%arg13 : memref<128xi32, #tpu.memory_space<vmem>>) semaphore(%arg17 : memref<!tpu.dma_semaphore, #tpu.memory_space<semaphore_mem>>)
    tpu.wait_dma2 semaphore(%arg19 : memref<!tpu.dma_semaphore, #tpu.memory_space<semaphore_mem>>) src(%arg6 : memref<16xf32, #tpu.memory_space<hbm>>) dst(%arg14 : memref<16xf32, #tpu.memory_space<vmem>>)
    %get3A = arith.constant 0 : index
    %get3A_63 = tpu.vector_load %arg14[%get3A] {strides = array<i32>} : memref<16xf32, #tpu.memory_space<vmem>>, vector<16xf32>,
    %mul3A_64 = arith.mulf %get3A_63, %get3A_63 : vector<16xf32>
    %swap3A = arith.constant 0 : index
    %swap3A_65 = tpu.vector_load %arg14[%swap3A] {strides = array<i32>} : memref<16xf32, #tpu.memory_space<vmem>>, vector<16xf32>,
    tpu.vector_store %arg14[%swap3A], %mul3A_64 {strides = array<i32>} : memref<16xf32, #tpu.memory_space<vmem>>, vector<16xf32>,
    %broadcast_in_dim3A = arith.constant 0 : i32
    %broadcast_in_dim3A_66 = vector.broadcast %broadcast_in_dim3A : i32 to vector<16xi32>
    %gather3A = tpu.vector_load_idx %arg14[%broadcast_in_dim3A_66] : memref<16xf32, #tpu.memory_space<vmem>>[vector<16xi32>], vector<16xf32>,
    %broadcast_in_dim3A_67 = arith.constant 1 : i32
    %broadcast_in_dim3A_68 = vector.broadcast %broadcast_in_dim3A_67 : i32 to vector<16xi32>
    %gather3A_69 = tpu.vector_load_idx %arg14[%broadcast_in_dim3A_68] : memref<16xf32, #tpu.memory_space<vmem>>[vector<16xi32>], vector<16xf32>,
    %broadcast_in_dim3A_70 = arith.constant 2 : i32
    %broadcast_in_dim3A_71 = vector.broadcast %broadcast_in_dim3A_70 : i32 to vector<16xi32>
    %gather3A_72 = tpu.vector_load_idx %arg14[%broadcast_in_dim3A_71] : memref<16xf32, #tpu.memory_space<vmem>>[vector<16xi32>], vector<16xf32>,
    %broadcast_in_dim3A_73 = arith.constant 3 : i32
    %broadcast_in_dim3A_74 = vector.broadcast %broadcast_in_dim3A_73 : i32 to vector<16xi32>
    %gather3A_75 = tpu.vector_load_idx %arg14[%broadcast_in_dim3A_74] : memref<16xf32, #tpu.memory_space<vmem>>[vector<16xi32>], vector<16xf32>,
    %broadcast_in_dim3A_76 = arith.constant 4 : i32
    %broadcast_in_dim3A_77 = vector.broadcast %broadcast_in_dim3A_76 : i32 to vector<16xi32>
    %gather3A_78 = tpu.vector_load_idx %arg14[%broadcast_in_dim3A_77] : memref<16xf32, #tpu.memory_space<vmem>>[vector<16xi32>], vector<16xf32>,
    %broadcast_in_dim3A_79 = arith.constant 5 : i32
    %broadcast_in_dim3A_80 = vector.broadcast %broadcast_in_dim3A_79 : i32 to vector<16xi32>
    %gather3A_81 = tpu.vector_load_idx %arg14[%broadcast_in_dim3A_80] : memref<16xf32, #tpu.memory_space<vmem>>[vector<16xi32>], vector<16xf32>,
    %broadcast_in_dim3A_82 = arith.constant 6 : i32
    %broadcast_in_dim3A_83 = vector.broadcast %broadcast_in_dim3A_82 : i32 to vector<16xi32>
    %gather3A_84 = tpu.vector_load_idx %arg14[%broadcast_in_dim3A_83] : memref<16xf32, #tpu.memory_space<vmem>>[vector<16xi32>], vector<16xf32>,
    %broadcast_in_dim3A_85 = arith.constant 7 : i32
    %broadcast_in_dim3A_86 = vector.broadcast %broadcast_in_dim3A_85 : i32 to vector<16xi32>
    %gather3A_87 = tpu.vector_load_idx %arg14[%broadcast_in_dim3A_86] : memref<16xf32, #tpu.memory_space<vmem>>[vector<16xi32>], vector<16xf32>,
    %broadcast_in_dim3A_88 = arith.constant 8 : i32
    %broadcast_in_dim3A_89 = vector.broadcast %broadcast_in_dim3A_88 : i32 to vector<16xi32>
    %gather3A_90 = tpu.vector_load_idx %arg14[%broadcast_in_dim3A_89] : memref<16xf32, #tpu.memory_space<vmem>>[vector<16xi32>], vector<16xf32>,
    %broadcast_in_dim3A_91 = arith.constant 9 : i32
    %broadcast_in_dim3A_92 = vector.broadcast %broadcast_in_dim3A_91 : i32 to vector<16xi32>
    %gather3A_93 = tpu.vector_load_idx %arg14[%broadcast_in_dim3A_92] : memref<16xf32, #tpu.memory_space<vmem>>[vector<16xi32>], vector<16xf32>,
    %broadcast_in_dim3A_94 = arith.constant 10 : i32
    %broadcast_in_dim3A_95 = vector.broadcast %broadcast_in_dim3A_94 : i32 to vector<16xi32>
    %gather3A_96 = tpu.vector_load_idx %arg14[%broadcast_in_dim3A_95] : memref<16xf32, #tpu.memory_space<vmem>>[vector<16xi32>], vector<16xf32>,
    %broadcast_in_dim3A_97 = arith.constant 11 : i32
    %broadcast_in_dim3A_98 = vector.broadcast %broadcast_in_dim3A_97 : i32 to vector<16xi32>
    %gather3A_99 = tpu.vector_load_idx %arg14[%broadcast_in_dim3A_98] : memref<16xf32, #tpu.memory_space<vmem>>[vector<16xi32>], vector<16xf32>,
    %broadcast_in_dim3A_100 = arith.constant 12 : i32
    %broadcast_in_dim3A_101 = vector.broadcast %broadcast_in_dim3A_100 : i32 to vector<16xi32>
    %gather3A_102 = tpu.vector_load_idx %arg14[%broadcast_in_dim3A_101] : memref<16xf32, #tpu.memory_space<vmem>>[vector<16xi32>], vector<16xf32>,
    %broadcast_in_dim3A_103 = arith.constant 13 : i32
    %broadcast_in_dim3A_104 = vector.broadcast %broadcast_in_dim3A_103 : i32 to vector<16xi32>
    %gather3A_105 = tpu.vector_load_idx %arg14[%broadcast_in_dim3A_104] : memref<16xf32, #tpu.memory_space<vmem>>[vector<16xi32>], vector<16xf32>,
    %broadcast_in_dim3A_106 = arith.constant 14 : i32
    %broadcast_in_dim3A_107 = vector.broadcast %broadcast_in_dim3A_106 : i32 to vector<16xi32>
    %gather3A_108 = tpu.vector_load_idx %arg14[%broadcast_in_dim3A_107] : memref<16xf32, #tpu.memory_space<vmem>>[vector<16xi32>], vector<16xf32>,
    %broadcast_in_dim3A_109 = arith.constant 15 : i32
    %broadcast_in_dim3A_110 = vector.broadcast %broadcast_in_dim3A_109 : i32 to vector<16xi32>
    %gather3A_111 = tpu.vector_load_idx %arg14[%broadcast_in_dim3A_110] : memref<16xf32, #tpu.memory_space<vmem>>[vector<16xi32>], vector<16xf32>,
    tpu.wait_dma2 semaphore(%arg18 : memref<!tpu.dma_semaphore, #tpu.memory_space<semaphore_mem>>) src(%arg3 : memref<1000x1xf32, #tpu.memory_space<hbm>>) dst(%arg10 : memref<1000x1xf32, #tpu.memory_space<vmem>>)
    %dma_wait3A_112 = arith.constant 0 : i32
    %dma_wait3A_113 = tpu.memref_slice %arg4[%mul3A_43, %dma_wait3A_112] : memref<4096x16xf32, #tpu.memory_space<hbm>> -> memref<128x16xf32, #tpu.memory_space<hbm>>
    %dma_wait3A_114 = arith.constant 0 : i32
    %dma_wait3A_115 = tpu.memref_slice %arg4[%mul3A_43, %dma_wait3A_114] : memref<4096x16xf32, #tpu.memory_space<hbm>> -> memref<128x16xf32, #tpu.memory_space<hbm>>
    tpu.wait_dma2 semaphore(%arg20 : memref<!tpu.dma_semaphore, #tpu.memory_space<semaphore_mem>>) src(%dma_wait3A_115 : memref<128x16xf32, #tpu.memory_space<hbm>>) dst(%arg11 : memref<128x16xf32, #tpu.memory_space<vmem>>)
    %dma_wait3A_116 = arith.constant 0 : i32
    %dma_wait3A_117 = arith.constant 0 : i32
    %dma_wait3A_118 = tpu.memref_slice %arg2[%dma_wait3A_116, %dma_wait3A_117] : memref<1000x16xf32, #tpu.memory_space<hbm>> -> memref<1000x16xf32, #tpu.memory_space<hbm>>
    tpu.wait_indirect_dma semaphore(%arg16 : memref<!tpu.dma_semaphore, #tpu.memory_space<semaphore_mem>>) src(%dma_wait3A_118 : memref<1000x16xf32, #tpu.memory_space<hbm>>) dst(%arg8 : memref<128x16xf32, #tpu.memory_space<vmem>>)
    %dma_wait3A_119 = arith.constant 0 : i32
    %dma_wait3A_120 = arith.constant 0 : i32
    %dma_wait3A_121 = tpu.memref_slice %arg2[%dma_wait3A_119, %dma_wait3A_120] : memref<1000x16xf32, #tpu.memory_space<hbm>> -> memref<1000x16xf32, #tpu.memory_space<hbm>>
    tpu.wait_indirect_dma semaphore(%arg17 : memref<!tpu.dma_semaphore, #tpu.memory_space<semaphore_mem>>) src(%dma_wait3A_121 : memref<1000x16xf32, #tpu.memory_space<hbm>>) dst(%arg9 : memref<128x16xf32, #tpu.memory_space<vmem>>)
    %broadcast_in_dim3A_122 = arith.constant 0 : i32
    %broadcast_in_dim3A_123 = vector.broadcast %broadcast_in_dim3A_122 : i32 to vector<16xi32>
    %scan3A = arith.constant 0 : i32
    %scan3A_124 = arith.constant 8 : i32
    %scan3A_125 = arith.addi %scan3A, %scan3A_124 : i32
    %scan3A_126 = arith.constant 1 : i32
    scf.for %scan3A_130 = %scan3A to %scan3A_125 step %scan3A_126  : i32 {
      %mul3A_131 = arith.constant 1 : i32
      %mul3A_132 = arith.muli %scan3A_130, %mul3A_131 : i32
      %add3A_133 = arith.constant 0 : i32
      %add3A_134 = arith.addi %add3A_133, %mul3A_132 : i32
      %mul3A_135 = arith.constant 16 : i32
      %mul3A_136 = arith.muli %add3A_134, %mul3A_135 : i32
      %multiple_of3A = tpu.assume_multiple %mul3A_136, 16 : i32
      %get3A_137 = arith.index_cast %multiple_of3A : i32 to index
      %get3A_138 = tpu.vector_load %arg12[%get3A_137] {strides = array<i32>} : memref<128xi32, #tpu.memory_space<vmem>>, vector<16xi32>,
      %get3A_139 = arith.index_cast %multiple_of3A : i32 to index
      %get3A_140 = tpu.vector_load %arg13[%get3A_139] {strides = array<i32>} : memref<128xi32, #tpu.memory_space<vmem>>, vector<16xi32>,
      %iota3A = tpu.iota {dimensions = array<i32: 0>} : vector<16xi32>
      %add3A_141 = vector.broadcast %multiple_of3A : i32 to vector<16xi32>
      %add3A_142 = arith.addi %iota3A, %add3A_141 : vector<16xi32>
      %broadcast_in_dim3A_143 = arith.constant 0.000000e+00 : f32
      %broadcast_in_dim3A_144 = vector.broadcast %broadcast_in_dim3A_143 : f32 to vector<16xf32>
      %broadcast_in_dim3A_145 = arith.constant 0.000000e+00 : f32
      %broadcast_in_dim3A_146 = vector.broadcast %broadcast_in_dim3A_145 : f32 to vector<16xf32>
      %broadcast_in_dim3A_147 = arith.constant 0 : i32
      %broadcast_in_dim3A_148 = vector.broadcast %broadcast_in_dim3A_147 : i32 to vector<16xi32>
      %gather3A_149 = tpu.vector_load_idx %arg11[%add3A_142, %broadcast_in_dim3A_148] : memref<128x16xf32, #tpu.memory_space<vmem>>[vector<16xi32>, vector<16xi32>], vector<16xf32>,
      %gather3A_150 = tpu.vector_load_idx %arg8[%add3A_142, %broadcast_in_dim3A_148] : memref<128x16xf32, #tpu.memory_space<vmem>>[vector<16xi32>, vector<16xi32>], vector<16xf32>,
      %gather3A_151 = tpu.vector_load_idx %arg9[%add3A_142, %broadcast_in_dim3A_148] : memref<128x16xf32, #tpu.memory_space<vmem>>[vector<16xi32>, vector<16xi32>], vector<16xf32>,
      %sub3A_152 = arith.subf %gather3A_149, %gather3A_150 : vector<16xf32>
      %sub3A_153 = arith.subf %gather3A_149, %gather3A_151 : vector<16xf32>
      %mul3A_154 = arith.mulf %sub3A_152, %sub3A_152 : vector<16xf32>
      %mul3A_155 = arith.mulf %mul3A_154, %gather3A : vector<16xf32>
      %add3A_156 = arith.addf %broadcast_in_dim3A_144, %mul3A_155 : vector<16xf32>
      %mul3A_157 = arith.mulf %sub3A_153, %sub3A_153 : vector<16xf32>
      %mul3A_158 = arith.mulf %mul3A_157, %gather3A : vector<16xf32>
      %add3A_159 = arith.addf %broadcast_in_dim3A_146, %mul3A_158 : vector<16xf32>
      %broadcast_in_dim3A_160 = arith.constant 1 : i32
      %broadcast_in_dim3A_161 = vector.broadcast %broadcast_in_dim3A_160 : i32 to vector<16xi32>
      %gather3A_162 = tpu.vector_load_idx %arg11[%add3A_142, %broadcast_in_dim3A_161] : memref<128x16xf32, #tpu.memory_space<vmem>>[vector<16xi32>, vector<16xi32>], vector<16xf32>,
      %gather3A_163 = tpu.vector_load_idx %arg8[%add3A_142, %broadcast_in_dim3A_161] : memref<128x16xf32, #tpu.memory_space<vmem>>[vector<16xi32>, vector<16xi32>], vector<16xf32>,
      %gather3A_164 = tpu.vector_load_idx %arg9[%add3A_142, %broadcast_in_dim3A_161] : memref<128x16xf32, #tpu.memory_space<vmem>>[vector<16xi32>, vector<16xi32>], vector<16xf32>,
      %sub3A_165 = arith.subf %gather3A_162, %gather3A_163 : vector<16xf32>
      %sub3A_166 = arith.subf %gather3A_162, %gather3A_164 : vector<16xf32>
      %mul3A_167 = arith.mulf %sub3A_165, %sub3A_165 : vector<16xf32>
      %mul3A_168 = arith.mulf %mul3A_167, %gather3A_69 : vector<16xf32>
      %add3A_169 = arith.addf %add3A_156, %mul3A_168 : vector<16xf32>
      %mul3A_170 = arith.mulf %sub3A_166, %sub3A_166 : vector<16xf32>
      %mul3A_171 = arith.mulf %mul3A_170, %gather3A_69 : vector<16xf32>
      %add3A_172 = arith.addf %add3A_159, %mul3A_171 : vector<16xf32>
      %broadcast_in_dim3A_173 = arith.constant 2 : i32
      %broadcast_in_dim3A_174 = vector.broadcast %broadcast_in_dim3A_173 : i32 to vector<16xi32>
      %gather3A_175 = tpu.vector_load_idx %arg11[%add3A_142, %broadcast_in_dim3A_174] : memref<128x16xf32, #tpu.memory_space<vmem>>[vector<16xi32>, vector<16xi32>], vector<16xf32>,
      %gather3A_176 = tpu.vector_load_idx %arg8[%add3A_142, %broadcast_in_dim3A_174] : memref<128x16xf32, #tpu.memory_space<vmem>>[vector<16xi32>, vector<16xi32>], vector<16xf32>,
      %gather3A_177 = tpu.vector_load_idx %arg9[%add3A_142, %broadcast_in_dim3A_174] : memref<128x16xf32, #tpu.memory_space<vmem>>[vector<16xi32>, vector<16xi32>], vector<16xf32>,
      %sub3A_178 = arith.subf %gather3A_175, %gather3A_176 : vector<16xf32>
      %sub3A_179 = arith.subf %gather3A_175, %gather3A_177 : vector<16xf32>
      %mul3A_180 = arith.mulf %sub3A_178, %sub3A_178 : vector<16xf32>
      %mul3A_181 = arith.mulf %mul3A_180, %gather3A_72 : vector<16xf32>
      %add3A_182 = arith.addf %add3A_169, %mul3A_181 : vector<16xf32>
      %mul3A_183 = arith.mulf %sub3A_179, %sub3A_179 : vector<16xf32>
      %mul3A_184 = arith.mulf %mul3A_183, %gather3A_72 : vector<16xf32>
      %add3A_185 = arith.addf %add3A_172, %mul3A_184 : vector<16xf32>
      %broadcast_in_dim3A_186 = arith.constant 3 : i32
      %broadcast_in_dim3A_187 = vector.broadcast %broadcast_in_dim3A_186 : i32 to vector<16xi32>
      %gather3A_188 = tpu.vector_load_idx %arg11[%add3A_142, %broadcast_in_dim3A_187] : memref<128x16xf32, #tpu.memory_space<vmem>>[vector<16xi32>, vector<16xi32>], vector<16xf32>,
      %gather3A_189 = tpu.vector_load_idx %arg8[%add3A_142, %broadcast_in_dim3A_187] : memref<128x16xf32, #tpu.memory_space<vmem>>[vector<16xi32>, vector<16xi32>], vector<16xf32>,
      %gather3A_190 = tpu.vector_load_idx %arg9[%add3A_142, %broadcast_in_dim3A_187] : memref<128x16xf32, #tpu.memory_space<vmem>>[vector<16xi32>, vector<16xi32>], vector<16xf32>,
      %sub3A_191 = arith.subf %gather3A_188, %gather3A_189 : vector<16xf32>
      %sub3A_192 = arith.subf %gather3A_188, %gather3A_190 : vector<16xf32>
      %mul3A_193 = arith.mulf %sub3A_191, %sub3A_191 : vector<16xf32>
      %mul3A_194 = arith.mulf %mul3A_193, %gather3A_75 : vector<16xf32>
      %add3A_195 = arith.addf %add3A_182, %mul3A_194 : vector<16xf32>
      %mul3A_196 = arith.mulf %sub3A_192, %sub3A_192 : vector<16xf32>
      %mul3A_197 = arith.mulf %mul3A_196, %gather3A_75 : vector<16xf32>
      %add3A_198 = arith.addf %add3A_185, %mul3A_197 : vector<16xf32>
      %broadcast_in_dim3A_199 = arith.constant 4 : i32
      %broadcast_in_dim3A_200 = vector.broadcast %broadcast_in_dim3A_199 : i32 to vector<16xi32>
      %gather3A_201 = tpu.vector_load_idx %arg11[%add3A_142, %broadcast_in_dim3A_200] : memref<128x16xf32, #tpu.memory_space<vmem>>[vector<16xi32>, vector<16xi32>], vector<16xf32>,
      %gather3A_202 = tpu.vector_load_idx %arg8[%add3A_142, %broadcast_in_dim3A_200] : memref<128x16xf32, #tpu.memory_space<vmem>>[vector<16xi32>, vector<16xi32>], vector<16xf32>,
      %gather3A_203 = tpu.vector_load_idx %arg9[%add3A_142, %broadcast_in_dim3A_200] : memref<128x16xf32, #tpu.memory_space<vmem>>[vector<16xi32>, vector<16xi32>], vector<16xf32>,
      %sub3A_204 = arith.subf %gather3A_201, %gather3A_202 : vector<16xf32>
      %sub3A_205 = arith.subf %gather3A_201, %gather3A_203 : vector<16xf32>
      %mul3A_206 = arith.mulf %sub3A_204, %sub3A_204 : vector<16xf32>
      %mul3A_207 = arith.mulf %mul3A_206, %gather3A_78 : vector<16xf32>
      %add3A_208 = arith.addf %add3A_195, %mul3A_207 : vector<16xf32>
      %mul3A_209 = arith.mulf %sub3A_205, %sub3A_205 : vector<16xf32>
      %mul3A_210 = arith.mulf %mul3A_209, %gather3A_78 : vector<16xf32>
      %add3A_211 = arith.addf %add3A_198, %mul3A_210 : vector<16xf32>
      %broadcast_in_dim3A_212 = arith.constant 5 : i32
      %broadcast_in_dim3A_213 = vector.broadcast %broadcast_in_dim3A_212 : i32 to vector<16xi32>
      %gather3A_214 = tpu.vector_load_idx %arg11[%add3A_142, %broadcast_in_dim3A_213] : memref<128x16xf32, #tpu.memory_space<vmem>>[vector<16xi32>, vector<16xi32>], vector<16xf32>,
      %gather3A_215 = tpu.vector_load_idx %arg8[%add3A_142, %broadcast_in_dim3A_213] : memref<128x16xf32, #tpu.memory_space<vmem>>[vector<16xi32>, vector<16xi32>], vector<16xf32>,
      %gather3A_216 = tpu.vector_load_idx %arg9[%add3A_142, %broadcast_in_dim3A_213] : memref<128x16xf32, #tpu.memory_space<vmem>>[vector<16xi32>, vector<16xi32>], vector<16xf32>,
      %sub3A_217 = arith.subf %gather3A_214, %gather3A_215 : vector<16xf32>
      %sub3A_218 = arith.subf %gather3A_214, %gather3A_216 : vector<16xf32>
      %mul3A_219 = arith.mulf %sub3A_217, %sub3A_217 : vector<16xf32>
      %mul3A_220 = arith.mulf %mul3A_219, %gather3A_81 : vector<16xf32>
      %add3A_221 = arith.addf %add3A_208, %mul3A_220 : vector<16xf32>
      %mul3A_222 = arith.mulf %sub3A_218, %sub3A_218 : vector<16xf32>
      %mul3A_223 = arith.mulf %mul3A_222, %gather3A_81 : vector<16xf32>
      %add3A_224 = arith.addf %add3A_211, %mul3A_223 : vector<16xf32>
      %broadcast_in_dim3A_225 = arith.constant 6 : i32
      %broadcast_in_dim3A_226 = vector.broadcast %broadcast_in_dim3A_225 : i32 to vector<16xi32>
      %gather3A_227 = tpu.vector_load_idx %arg11[%add3A_142, %broadcast_in_dim3A_226] : memref<128x16xf32, #tpu.memory_space<vmem>>[vector<16xi32>, vector<16xi32>], vector<16xf32>,
      %gather3A_228 = tpu.vector_load_idx %arg8[%add3A_142, %broadcast_in_dim3A_226] : memref<128x16xf32, #tpu.memory_space<vmem>>[vector<16xi32>, vector<16xi32>], vector<16xf32>,
      %gather3A_229 = tpu.vector_load_idx %arg9[%add3A_142, %broadcast_in_dim3A_226] : memref<128x16xf32, #tpu.memory_space<vmem>>[vector<16xi32>, vector<16xi32>], vector<16xf32>,
      %sub3A_230 = arith.subf %gather3A_227, %gather3A_228 : vector<16xf32>
      %sub3A_231 = arith.subf %gather3A_227, %gather3A_229 : vector<16xf32>
      %mul3A_232 = arith.mulf %sub3A_230, %sub3A_230 : vector<16xf32>
      %mul3A_233 = arith.mulf %mul3A_232, %gather3A_84 : vector<16xf32>
      %add3A_234 = arith.addf %add3A_221, %mul3A_233 : vector<16xf32>
      %mul3A_235 = arith.mulf %sub3A_231, %sub3A_231 : vector<16xf32>
      %mul3A_236 = arith.mulf %mul3A_235, %gather3A_84 : vector<16xf32>
      %add3A_237 = arith.addf %add3A_224, %mul3A_236 : vector<16xf32>
      %broadcast_in_dim3A_238 = arith.constant 7 : i32
      %broadcast_in_dim3A_239 = vector.broadcast %broadcast_in_dim3A_238 : i32 to vector<16xi32>
      %gather3A_240 = tpu.vector_load_idx %arg11[%add3A_142, %broadcast_in_dim3A_239] : memref<128x16xf32, #tpu.memory_space<vmem>>[vector<16xi32>, vector<16xi32>], vector<16xf32>,
      %gather3A_241 = tpu.vector_load_idx %arg8[%add3A_142, %broadcast_in_dim3A_239] : memref<128x16xf32, #tpu.memory_space<vmem>>[vector<16xi32>, vector<16xi32>], vector<16xf32>,
      %gather3A_242 = tpu.vector_load_idx %arg9[%add3A_142, %broadcast_in_dim3A_239] : memref<128x16xf32, #tpu.memory_space<vmem>>[vector<16xi32>, vector<16xi32>], vector<16xf32>,
      %sub3A_243 = arith.subf %gather3A_240, %gather3A_241 : vector<16xf32>
      %sub3A_244 = arith.subf %gather3A_240, %gather3A_242 : vector<16xf32>
      %mul3A_245 = arith.mulf %sub3A_243, %sub3A_243 : vector<16xf32>
      %mul3A_246 = arith.mulf %mul3A_245, %gather3A_87 : vector<16xf32>
      %add3A_247 = arith.addf %add3A_234, %mul3A_246 : vector<16xf32>
      %mul3A_248 = arith.mulf %sub3A_244, %sub3A_244 : vector<16xf32>
      %mul3A_249 = arith.mulf %mul3A_248, %gather3A_87 : vector<16xf32>
      %add3A_250 = arith.addf %add3A_237, %mul3A_249 : vector<16xf32>
      %broadcast_in_dim3A_251 = arith.constant 8 : i32
      %broadcast_in_dim3A_252 = vector.broadcast %broadcast_in_dim3A_251 : i32 to vector<16xi32>
      %gather3A_253 = tpu.vector_load_idx %arg11[%add3A_142, %broadcast_in_dim3A_252] : memref<128x16xf32, #tpu.memory_space<vmem>>[vector<16xi32>, vector<16xi32>], vector<16xf32>,
      %gather3A_254 = tpu.vector_load_idx %arg8[%add3A_142, %broadcast_in_dim3A_252] : memref<128x16xf32, #tpu.memory_space<vmem>>[vector<16xi32>, vector<16xi32>], vector<16xf32>,
      %gather3A_255 = tpu.vector_load_idx %arg9[%add3A_142, %broadcast_in_dim3A_252] : memref<128x16xf32, #tpu.memory_space<vmem>>[vector<16xi32>, vector<16xi32>], vector<16xf32>,
      %sub3A_256 = arith.subf %gather3A_253, %gather3A_254 : vector<16xf32>
      %sub3A_257 = arith.subf %gather3A_253, %gather3A_255 : vector<16xf32>
      %mul3A_258 = arith.mulf %sub3A_256, %sub3A_256 : vector<16xf32>
      %mul3A_259 = arith.mulf %mul3A_258, %gather3A_90 : vector<16xf32>
      %add3A_260 = arith.addf %add3A_247, %mul3A_259 : vector<16xf32>
      %mul3A_261 = arith.mulf %sub3A_257, %sub3A_257 : vector<16xf32>
      %mul3A_262 = arith.mulf %mul3A_261, %gather3A_90 : vector<16xf32>
      %add3A_263 = arith.addf %add3A_250, %mul3A_262 : vector<16xf32>
      %broadcast_in_dim3A_264 = arith.constant 9 : i32
      %broadcast_in_dim3A_265 = vector.broadcast %broadcast_in_dim3A_264 : i32 to vector<16xi32>
      %gather3A_266 = tpu.vector_load_idx %arg11[%add3A_142, %broadcast_in_dim3A_265] : memref<128x16xf32, #tpu.memory_space<vmem>>[vector<16xi32>, vector<16xi32>], vector<16xf32>,
      %gather3A_267 = tpu.vector_load_idx %arg8[%add3A_142, %broadcast_in_dim3A_265] : memref<128x16xf32, #tpu.memory_space<vmem>>[vector<16xi32>, vector<16xi32>], vector<16xf32>,
      %gather3A_268 = tpu.vector_load_idx %arg9[%add3A_142, %broadcast_in_dim3A_265] : memref<128x16xf32, #tpu.memory_space<vmem>>[vector<16xi32>, vector<16xi32>], vector<16xf32>,
      %sub3A_269 = arith.subf %gather3A_266, %gather3A_267 : vector<16xf32>
      %sub3A_270 = arith.subf %gather3A_266, %gather3A_268 : vector<16xf32>
      %mul3A_271 = arith.mulf %sub3A_269, %sub3A_269 : vector<16xf32>
      %mul3A_272 = arith.mulf %mul3A_271, %gather3A_93 : vector<16xf32>
      %add3A_273 = arith.addf %add3A_260, %mul3A_272 : vector<16xf32>
      %mul3A_274 = arith.mulf %sub3A_270, %sub3A_270 : vector<16xf32>
      %mul3A_275 = arith.mulf %mul3A_274, %gather3A_93 : vector<16xf32>
      %add3A_276 = arith.addf %add3A_263, %mul3A_275 : vector<16xf32>
      %broadcast_in_dim3A_277 = arith.constant 10 : i32
      %broadcast_in_dim3A_278 = vector.broadcast %broadcast_in_dim3A_277 : i32 to vector<16xi32>
      %gather3A_279 = tpu.vector_load_idx %arg11[%add3A_142, %broadcast_in_dim3A_278] : memref<128x16xf32, #tpu.memory_space<vmem>>[vector<16xi32>, vector<16xi32>], vector<16xf32>,
      %gather3A_280 = tpu.vector_load_idx %arg8[%add3A_142, %broadcast_in_dim3A_278] : memref<128x16xf32, #tpu.memory_space<vmem>>[vector<16xi32>, vector<16xi32>], vector<16xf32>,
      %gather3A_281 = tpu.vector_load_idx %arg9[%add3A_142, %broadcast_in_dim3A_278] : memref<128x16xf32, #tpu.memory_space<vmem>>[vector<16xi32>, vector<16xi32>], vector<16xf32>,
      %sub3A_282 = arith.subf %gather3A_279, %gather3A_280 : vector<16xf32>
      %sub3A_283 = arith.subf %gather3A_279, %gather3A_281 : vector<16xf32>
      %mul3A_284 = arith.mulf %sub3A_282, %sub3A_282 : vector<16xf32>
      %mul3A_285 = arith.mulf %mul3A_284, %gather3A_96 : vector<16xf32>
      %add3A_286 = arith.addf %add3A_273, %mul3A_285 : vector<16xf32>
      %mul3A_287 = arith.mulf %sub3A_283, %sub3A_283 : vector<16xf32>
      %mul3A_288 = arith.mulf %mul3A_287, %gather3A_96 : vector<16xf32>
      %add3A_289 = arith.addf %add3A_276, %mul3A_288 : vector<16xf32>
      %broadcast_in_dim3A_290 = arith.constant 11 : i32
      %broadcast_in_dim3A_291 = vector.broadcast %broadcast_in_dim3A_290 : i32 to vector<16xi32>
      %gather3A_292 = tpu.vector_load_idx %arg11[%add3A_142, %broadcast_in_dim3A_291] : memref<128x16xf32, #tpu.memory_space<vmem>>[vector<16xi32>, vector<16xi32>], vector<16xf32>,
      %gather3A_293 = tpu.vector_load_idx %arg8[%add3A_142, %broadcast_in_dim3A_291] : memref<128x16xf32, #tpu.memory_space<vmem>>[vector<16xi32>, vector<16xi32>], vector<16xf32>,
      %gather3A_294 = tpu.vector_load_idx %arg9[%add3A_142, %broadcast_in_dim3A_291] : memref<128x16xf32, #tpu.memory_space<vmem>>[vector<16xi32>, vector<16xi32>], vector<16xf32>,
      %sub3A_295 = arith.subf %gather3A_292, %gather3A_293 : vector<16xf32>
      %sub3A_296 = arith.subf %gather3A_292, %gather3A_294 : vector<16xf32>
      %mul3A_297 = arith.mulf %sub3A_295, %sub3A_295 : vector<16xf32>
      %mul3A_298 = arith.mulf %mul3A_297, %gather3A_99 : vector<16xf32>
      %add3A_299 = arith.addf %add3A_286, %mul3A_298 : vector<16xf32>
      %mul3A_300 = arith.mulf %sub3A_296, %sub3A_296 : vector<16xf32>
      %mul3A_301 = arith.mulf %mul3A_300, %gather3A_99 : vector<16xf32>
      %add3A_302 = arith.addf %add3A_289, %mul3A_301 : vector<16xf32>
      %broadcast_in_dim3A_303 = arith.constant 12 : i32
      %broadcast_in_dim3A_304 = vector.broadcast %broadcast_in_dim3A_303 : i32 to vector<16xi32>
      %gather3A_305 = tpu.vector_load_idx %arg11[%add3A_142, %broadcast_in_dim3A_304] : memref<128x16xf32, #tpu.memory_space<vmem>>[vector<16xi32>, vector<16xi32>], vector<16xf32>,
      %gather3A_306 = tpu.vector_load_idx %arg8[%add3A_142, %broadcast_in_dim3A_304] : memref<128x16xf32, #tpu.memory_space<vmem>>[vector<16xi32>, vector<16xi32>], vector<16xf32>,
      %gather3A_307 = tpu.vector_load_idx %arg9[%add3A_142, %broadcast_in_dim3A_304] : memref<128x16xf32, #tpu.memory_space<vmem>>[vector<16xi32>, vector<16xi32>], vector<16xf32>,
      %sub3A_308 = arith.subf %gather3A_305, %gather3A_306 : vector<16xf32>
      %sub3A_309 = arith.subf %gather3A_305, %gather3A_307 : vector<16xf32>
      %mul3A_310 = arith.mulf %sub3A_308, %sub3A_308 : vector<16xf32>
      %mul3A_311 = arith.mulf %mul3A_310, %gather3A_102 : vector<16xf32>
      %add3A_312 = arith.addf %add3A_299, %mul3A_311 : vector<16xf32>
      %mul3A_313 = arith.mulf %sub3A_309, %sub3A_309 : vector<16xf32>
      %mul3A_314 = arith.mulf %mul3A_313, %gather3A_102 : vector<16xf32>
      %add3A_315 = arith.addf %add3A_302, %mul3A_314 : vector<16xf32>
      %broadcast_in_dim3A_316 = arith.constant 13 : i32
      %broadcast_in_dim3A_317 = vector.broadcast %broadcast_in_dim3A_316 : i32 to vector<16xi32>
      %gather3A_318 = tpu.vector_load_idx %arg11[%add3A_142, %broadcast_in_dim3A_317] : memref<128x16xf32, #tpu.memory_space<vmem>>[vector<16xi32>, vector<16xi32>], vector<16xf32>,
      %gather3A_319 = tpu.vector_load_idx %arg8[%add3A_142, %broadcast_in_dim3A_317] : memref<128x16xf32, #tpu.memory_space<vmem>>[vector<16xi32>, vector<16xi32>], vector<16xf32>,
      %gather3A_320 = tpu.vector_load_idx %arg9[%add3A_142, %broadcast_in_dim3A_317] : memref<128x16xf32, #tpu.memory_space<vmem>>[vector<16xi32>, vector<16xi32>], vector<16xf32>,
      %sub3A_321 = arith.subf %gather3A_318, %gather3A_319 : vector<16xf32>
      %sub3A_322 = arith.subf %gather3A_318, %gather3A_320 : vector<16xf32>
      %mul3A_323 = arith.mulf %sub3A_321, %sub3A_321 : vector<16xf32>
      %mul3A_324 = arith.mulf %mul3A_323, %gather3A_105 : vector<16xf32>
      %add3A_325 = arith.addf %add3A_312, %mul3A_324 : vector<16xf32>
      %mul3A_326 = arith.mulf %sub3A_322, %sub3A_322 : vector<16xf32>
      %mul3A_327 = arith.mulf %mul3A_326, %gather3A_105 : vector<16xf32>
      %add3A_328 = arith.addf %add3A_315, %mul3A_327 : vector<16xf32>
      %broadcast_in_dim3A_329 = arith.constant 14 : i32
      %broadcast_in_dim3A_330 = vector.broadcast %broadcast_in_dim3A_329 : i32 to vector<16xi32>
      %gather3A_331 = tpu.vector_load_idx %arg11[%add3A_142, %broadcast_in_dim3A_330] : memref<128x16xf32, #tpu.memory_space<vmem>>[vector<16xi32>, vector<16xi32>], vector<16xf32>,
      %gather3A_332 = tpu.vector_load_idx %arg8[%add3A_142, %broadcast_in_dim3A_330] : memref<128x16xf32, #tpu.memory_space<vmem>>[vector<16xi32>, vector<16xi32>], vector<16xf32>,
      %gather3A_333 = tpu.vector_load_idx %arg9[%add3A_142, %broadcast_in_dim3A_330] : memref<128x16xf32, #tpu.memory_space<vmem>>[vector<16xi32>, vector<16xi32>], vector<16xf32>,
      %sub3A_334 = arith.subf %gather3A_331, %gather3A_332 : vector<16xf32>
      %sub3A_335 = arith.subf %gather3A_331, %gather3A_333 : vector<16xf32>
      %mul3A_336 = arith.mulf %sub3A_334, %sub3A_334 : vector<16xf32>
      %mul3A_337 = arith.mulf %mul3A_336, %gather3A_108 : vector<16xf32>
      %add3A_338 = arith.addf %add3A_325, %mul3A_337 : vector<16xf32>
      %mul3A_339 = arith.mulf %sub3A_335, %sub3A_335 : vector<16xf32>
      %mul3A_340 = arith.mulf %mul3A_339, %gather3A_108 : vector<16xf32>
      %add3A_341 = arith.addf %add3A_328, %mul3A_340 : vector<16xf32>
      %broadcast_in_dim3A_342 = arith.constant 15 : i32
      %broadcast_in_dim3A_343 = vector.broadcast %broadcast_in_dim3A_342 : i32 to vector<16xi32>
      %gather3A_344 = tpu.vector_load_idx %arg11[%add3A_142, %broadcast_in_dim3A_343] : memref<128x16xf32, #tpu.memory_space<vmem>>[vector<16xi32>, vector<16xi32>], vector<16xf32>,
      %gather3A_345 = tpu.vector_load_idx %arg8[%add3A_142, %broadcast_in_dim3A_343] : memref<128x16xf32, #tpu.memory_space<vmem>>[vector<16xi32>, vector<16xi32>], vector<16xf32>,
      %gather3A_346 = tpu.vector_load_idx %arg9[%add3A_142, %broadcast_in_dim3A_343] : memref<128x16xf32, #tpu.memory_space<vmem>>[vector<16xi32>, vector<16xi32>], vector<16xf32>,
      %sub3A_347 = arith.subf %gather3A_344, %gather3A_345 : vector<16xf32>
      %sub3A_348 = arith.subf %gather3A_344, %gather3A_346 : vector<16xf32>
      %mul3A_349 = arith.mulf %sub3A_347, %sub3A_347 : vector<16xf32>
      %mul3A_350 = arith.mulf %mul3A_349, %gather3A_111 : vector<16xf32>
      %add3A_351 = arith.addf %add3A_338, %mul3A_350 : vector<16xf32>
      %mul3A_352 = arith.mulf %sub3A_348, %sub3A_348 : vector<16xf32>
      %mul3A_353 = arith.mulf %mul3A_352, %gather3A_111 : vector<16xf32>
      %add3A_354 = arith.addf %add3A_341, %mul3A_353 : vector<16xf32>
      %lt3A_355 = arith.cmpf olt, %add3A_354, %add3A_351 : vector<16xf32>
      %eq3A_356 = arith.cmpf oeq, %add3A_354, %add3A_351 : vector<16xf32>
      %lt3A_357 = arith.cmpi slt, %get3A_140, %get3A_138 : vector<16xi32>
      %and3A_358 = arith.andi %eq3A_356, %lt3A_357 : vector<16xi1>
      %or3A = arith.ori %lt3A_355, %and3A_358 : vector<16xi1>
      %select_n3A_359 = arith.select %or3A, %get3A_140, %get3A_138 : vector<16xi1>, vector<16xi32>
      %gather3A_360 = tpu.vector_load_idx %arg10[%select_n3A_359, %broadcast_in_dim3A_123] : memref<1000x1xf32, #tpu.memory_space<vmem>>[vector<16xi32>, vector<16xi32>], vector<16xf32>,
      %swap3A_361 = arith.index_cast %multiple_of3A : i32 to index
      %swap3A_362 = tpu.vector_load %arg15[%swap3A_361] {strides = array<i32>} : memref<128xf32, #tpu.memory_space<vmem>>, vector<16xf32>,
      tpu.vector_store %arg15[%swap3A_361], %gather3A_360 {strides = array<i32>} : memref<128xf32, #tpu.memory_space<vmem>>, vector<16xf32>,
    }
    %scan3A_127 = arith.constant 8 : i32
    %mul3A_128 = arith.constant 128 : i32
    %mul3A_129 = arith.muli %add3A, %mul3A_128 : i32
    "tpu.region"() ({
      %run_scoped3A = tpu.sem_alloc : memref<!tpu.dma_semaphore, #tpu.memory_space<semaphore_mem>>
      %dma_start3A_130 = tpu.memref_slice %arg7[%mul3A_129] : memref<4096xf32, #tpu.memory_space<hbm>> -> memref<128xf32, #tpu.memory_space<hbm>>
      %dma_start3A_131 = tpu.memref_slice %arg7[%mul3A_129] : memref<4096xf32, #tpu.memory_space<hbm>> -> memref<128xf32, #tpu.memory_space<hbm>>
      tpu.enqueue_dma source(%arg15 : memref<128xf32, #tpu.memory_space<vmem>>) target(%dma_start3A_131 : memref<128xf32, #tpu.memory_space<hbm>>) target_semaphore(%run_scoped3A : memref<!tpu.dma_semaphore, #tpu.memory_space<semaphore_mem>>)
      %dma_wait3A_132 = tpu.memref_slice %arg7[%mul3A_129] : memref<4096xf32, #tpu.memory_space<hbm>> -> memref<128xf32, #tpu.memory_space<hbm>>
      %dma_wait3A_133 = tpu.memref_slice %arg7[%mul3A_129] : memref<4096xf32, #tpu.memory_space<hbm>> -> memref<128xf32, #tpu.memory_space<hbm>>
      tpu.wait_dma2 semaphore(%run_scoped3A : memref<!tpu.dma_semaphore, #tpu.memory_space<semaphore_mem>>) src(%arg15 : memref<128xf32, #tpu.memory_space<vmem>>) dst(%dma_wait3A_133 : memref<128xf32, #tpu.memory_space<hbm>>)
      tpu.yield
    }) : () -> ()
    return
  }
}

module attributes {stable_mosaic.version = 14 : i64} {
  func.func @_top2_kernel(%arg0: i32, %arg1: memref<512x16xf32, #tpu.memory_space<vmem>>, %arg2: memref<16x1000xf32, #tpu.memory_space<vmem>>, %arg3: memref<16x1xf32, #tpu.memory_space<vmem>>, %arg4: memref<1x2x512xi32, #tpu.memory_space<vmem>>) attributes {dimension_semantics = [#tpu.dimension_semantics<parallel>], iteration_bounds = array<i64: 8>, scalar_prefetch = 0 : i64, scratch_operands = 0 : i64, tpu.core_type = #tpu.core_type<tc>, window_params = [{transform_indices = @transform_0, window_bounds = array<i64: 512, 16>}, {pipeline_mode = #tpu.pipeline_mode<synchronous>, transform_indices = @transform_1, window_bounds = array<i64: 16, 1000>}, {pipeline_mode = #tpu.pipeline_mode<synchronous>, transform_indices = @transform_2, window_bounds = array<i64: 16, 1>}, {transform_indices = @transform_3, window_bounds = array<i64: 1, 2, 512>}]} {
    %get3A = arith.constant 0 : index
    %get3A_0 = arith.constant 0 : index
    %get3A_1 = vector.load %arg2[%get3A, %get3A_0] : memref<16x1000xf32, #tpu.memory_space<vmem>>, vector<16x1000xf32>
    %get3A_2 = arith.constant 0 : index
    %get3A_3 = arith.constant 0 : index
    %get3A_4 = vector.load %arg3[%get3A_2, %get3A_3] : memref<16x1xf32, #tpu.memory_space<vmem>>, vector<16x1xf32>
    %mul3A = vector.broadcast %get3A_4 : vector<16x1xf32> to vector<16x1000xf32>
    %mul3A_5 = arith.mulf %get3A_1, %mul3A : vector<16x1000xf32>
    %get3A_6 = arith.constant 0 : index
    %get3A_7 = arith.constant 0 : index
    %get3A_8 = vector.load %arg2[%get3A_6, %get3A_7] : memref<16x1000xf32, #tpu.memory_space<vmem>>, vector<16x1000xf32>
    %mul3A_9 = arith.mulf %get3A_8, %mul3A_5 : vector<16x1000xf32>
    %reduce_sum3A = arith.constant dense<0.000000e+00> : vector<1000xf32>
    %reduce_sum3A_10 = vector.multi_reduction <add>, %mul3A_9, %reduce_sum3A [0] : vector<16x1000xf32> to vector<1000xf32>
    %broadcast_in_dim3A = vector.shape_cast %reduce_sum3A_10 : vector<1000xf32> to vector<1x1000xf32>
    %get3A_11 = arith.constant 0 : index
    %get3A_12 = arith.constant 0 : index
    %get3A_13 = vector.load %arg1[%get3A_11, %get3A_12] : memref<512x16xf32, #tpu.memory_space<vmem>>, vector<512x16xf32>
    %convert_element_type3A = arith.truncf %get3A_13 : vector<512x16xf32> to vector<512x16xbf16>
    %convert_element_type3A_14 = arith.extf %convert_element_type3A : vector<512x16xbf16> to vector<512x16xf32>
    %sub3A = arith.subf %get3A_13, %convert_element_type3A_14 : vector<512x16xf32>
    %convert_element_type3A_15 = arith.truncf %sub3A : vector<512x16xf32> to vector<512x16xbf16>
    %convert_element_type3A_16 = arith.truncf %mul3A_5 : vector<16x1000xf32> to vector<16x1000xbf16>
    %convert_element_type3A_17 = arith.extf %convert_element_type3A_16 : vector<16x1000xbf16> to vector<16x1000xf32>
    %sub3A_18 = arith.subf %mul3A_5, %convert_element_type3A_17 : vector<16x1000xf32>
    %convert_element_type3A_19 = arith.truncf %sub3A_18 : vector<16x1000xf32> to vector<16x1000xbf16>
    %dot_general3A = arith.constant dense<0.000000e+00> : vector<512x1000xf32>
    %dot_general3A_20 = tpu.matmul %convert_element_type3A, %convert_element_type3A_16, %dot_general3A {dimension_numbers = #tpu.dot_dimension_numbers<[1], [0], [0], [1], [0, 0, 1, 1], [], []>, transpose_lhs_hint = false} : vector<512x16xbf16>, vector<16x1000xbf16>, vector<512x1000xf32> -> vector<512x1000xf32>
    %dot_general3A_21 = arith.constant dense<0.000000e+00> : vector<512x1000xf32>
    %dot_general3A_22 = tpu.matmul %convert_element_type3A, %convert_element_type3A_19, %dot_general3A_21 {dimension_numbers = #tpu.dot_dimension_numbers<[1], [0], [0], [1], [0, 0, 1, 1], [], []>, transpose_lhs_hint = false} : vector<512x16xbf16>, vector<16x1000xbf16>, vector<512x1000xf32> -> vector<512x1000xf32>
    %dot_general3A_23 = arith.constant dense<0.000000e+00> : vector<512x1000xf32>
    %dot_general3A_24 = tpu.matmul %convert_element_type3A_15, %convert_element_type3A_16, %dot_general3A_23 {dimension_numbers = #tpu.dot_dimension_numbers<[1], [0], [0], [1], [0, 0, 1, 1], [], []>, transpose_lhs_hint = false} : vector<512x16xbf16>, vector<16x1000xbf16>, vector<512x1000xf32> -> vector<512x1000xf32>
    %add3A = arith.addf %dot_general3A_22, %dot_general3A_24 : vector<512x1000xf32>
    %add3A_25 = arith.addf %dot_general3A_20, %add3A : vector<512x1000xf32>
    %dot_general3A_26 = arith.constant dense<0.000000e+00> : vector<512x1000xf32>
    %dot_general3A_27 = tpu.matmul %convert_element_type3A_15, %convert_element_type3A_19, %dot_general3A_26 {dimension_numbers = #tpu.dot_dimension_numbers<[1], [0], [0], [1], [0, 0, 1, 1], [], []>, transpose_lhs_hint = false} : vector<512x16xbf16>, vector<16x1000xbf16>, vector<512x1000xf32> -> vector<512x1000xf32>
    %add3A_28 = arith.addf %add3A_25, %dot_general3A_27 : vector<512x1000xf32>
    %mul3A_29 = arith.constant 2.000000e+00 : f32
    %mul3A_30 = vector.broadcast %mul3A_29 : f32 to vector<512x1000xf32>
    %mul3A_31 = arith.mulf %mul3A_30, %add3A_28 : vector<512x1000xf32>
    %sub3A_32 = vector.broadcast %broadcast_in_dim3A : vector<1x1000xf32> to vector<512x1000xf32>
    %sub3A_33 = arith.subf %sub3A_32, %mul3A_31 : vector<512x1000xf32>
    %iota3A = tpu.iota {dimensions = array<i32: 1>} : vector<512x1000xi32>
    %argmin3A = tpu.reduce_index %sub3A_33 {axis = 1 : i32, kind = #tpu.reduction_kind<arg_min>} : vector<512x1000xf32> -> vector<512xi32>
    %broadcast_in_dim3A_34 = vector.shape_cast %argmin3A : vector<512xi32> to vector<512x1xi32>
    %eq3A = vector.broadcast %broadcast_in_dim3A_34 : vector<512x1xi32> to vector<512x1000xi32>
    %eq3A_35 = arith.cmpi eq, %iota3A, %eq3A : vector<512x1000xi32>
    %jit3A = arith.constant 0x7F800000 : f32
    %broadcast_in_dim3A_36 = vector.broadcast %jit3A : f32 to vector<512x1000xf32>
    %select_n3A = arith.select %eq3A_35, %broadcast_in_dim3A_36, %sub3A_33 : vector<512x1000xi1>, vector<512x1000xf32>
    %argmin3A_37 = tpu.reduce_index %select_n3A {axis = 1 : i32, kind = #tpu.reduction_kind<arg_min>} : vector<512x1000xf32> -> vector<512xi32>
    %broadcast_in_dim3A_38 = vector.shape_cast %argmin3A_37 : vector<512xi32> to vector<512x1xi32>
    %transpose3A = tpu.transpose %broadcast_in_dim3A_34, [1, 0] : vector<512x1xi32> -> vector<1x512xi32>
    %swap3A = arith.constant 0 : index
    %swap3A_39 = arith.constant 0 : index
    %swap3A_40 = arith.constant 0 : index
    %swap3A_41 = vector.load %arg4[%swap3A, %swap3A_39, %swap3A_40] : memref<1x2x512xi32, #tpu.memory_space<vmem>>, vector<1x1x512xi32>
    %swap3A_42 = vector.shape_cast %swap3A_41 : vector<1x1x512xi32> to vector<1x512xi32>
    %swap3A_43 = vector.shape_cast %transpose3A : vector<1x512xi32> to vector<1x1x512xi32>
    tpu.vector_store %arg4[%swap3A, %swap3A_39, %swap3A_40], %swap3A_43 {strides = array<i32>} : memref<1x2x512xi32, #tpu.memory_space<vmem>>, vector<1x1x512xi32>,
    %transpose3A_44 = tpu.transpose %broadcast_in_dim3A_38, [1, 0] : vector<512x1xi32> -> vector<1x512xi32>
    %swap3A_45 = arith.constant 0 : index
    %swap3A_46 = arith.constant 1 : index
    %swap3A_47 = arith.constant 0 : index
    %swap3A_48 = vector.load %arg4[%swap3A_45, %swap3A_46, %swap3A_47] : memref<1x2x512xi32, #tpu.memory_space<vmem>>, vector<1x1x512xi32>
    %swap3A_49 = vector.shape_cast %swap3A_48 : vector<1x1x512xi32> to vector<1x512xi32>
    %swap3A_50 = vector.shape_cast %transpose3A_44 : vector<1x512xi32> to vector<1x1x512xi32>
    tpu.vector_store %arg4[%swap3A_45, %swap3A_46, %swap3A_47], %swap3A_50 {strides = array<i32>} : memref<1x2x512xi32, #tpu.memory_space<vmem>>, vector<1x1x512xi32>,
    return
  }
  func.func @transform_0(%arg0: i32) -> (i32, i32) {
    %c0_i32 = arith.constant 0 : i32
    %c0_i32_0 = arith.constant 0 : i32
    return %arg0, %c0_i32 : i32, i32
  }
  func.func @transform_1(%arg0: i32) -> (i32, i32) {
    %c0_i32 = arith.constant 0 : i32
    %c0_i32_0 = arith.constant 0 : i32
    %c0_i32_1 = arith.constant 0 : i32
    return %c0_i32, %c0_i32_0 : i32, i32
  }
  func.func @transform_2(%arg0: i32) -> (i32, i32) {
    %c0_i32 = arith.constant 0 : i32
    %c0_i32_0 = arith.constant 0 : i32
    %c0_i32_1 = arith.constant 0 : i32
    return %c0_i32, %c0_i32_0 : i32, i32
  }
  func.func @transform_3(%arg0: i32) -> (i32, i32, i32) {
    %c0_i32 = arith.constant 0 : i32
    %c0_i32_0 = arith.constant 0 : i32
    %c0_i32_1 = arith.constant 0 : i32
    return %arg0, %c0_i32, %c0_i32_0 : i32, i32, i32
  }
}

</mosaic_0001>

<sc_bundles>
// kernel: kernel.4.cloned.1.call-start
scs
__scs_entry_jumppad:
0x0: {  	(pc) =	sbr.rel $0x88, $3  }
0x1: {  	(tag) =	ssettag $0x0;
	lr =	simm.s32 $0x1  }
0x2: {  	[smem:$0x3F9D] =	sst lr;
	_ =	strace $0xD0000000  }
0x3: {  	_ = 	snop  }
0x4: {  	_ = 	snop  }
0x5: {  	_ = 	snop  }
0x6: {  	_ = 	snop  }
0x7: {  	_ = 	snop  }
__scs_overlays_trampoline_lowered:
0x8: {  	[smem:$0x3FAC] =	sst s0  }
0x9: {  	[smem:$0x3FAD] =	sst s1  }
0xa: {  	[smem:$0x3FAE] =	sst s2  }
0xb: {  	[smem:$0x3FAF] =	sst s3  }
0xc: {  	[smem:$0x3FB0] =	sst s4  }
0xd: {  	[smem:$0x3FB1] =	sst s5  }
0xe: {  	[smem:$0x3FB2] =	sst s6  }
0xf: {  	[smem:$0x3FB3] =	sst s7  }
0x10: {  	[smem:$0x3FB4] =	sst s8  }
0x11: {  	[smem:$0x3FB5] =	sst s9;
	s0 =	simm.s32 @!p0 $0x0  }
0x12: {  	s1 =	sld [smem:$0x3F9B];
	s0 =	simm.s32 @p0 $0x1  }
0x13: {  	[smem:$0x3FB6] =	sst s0;
	s0 =	simm.s32 @!p1 $0x0  }
0x14: {  	s2 =	sld [smem:$0x3F9A];
	s0 =	simm.s32 @p1 $0x1  }
0x15: {  	[smem:$0x3FB7] =	sst s0;
	s0 =	simm.s32 @!p2 $0x0  }
0x16: {  	s3 =	sld [smem:$0x3FDB];
	s0 =	simm.s32 @p2 $0x1  }
0x17: {  	s4 =	simm.s32 $0x1BF5;
	[smem:$0x3FB9] =	sst s0  }
0x18: {  	s0 =	sld [smem:$0x3F9C];
	_ =	swait.ge [sflag:s4], $0x0  }
0x19: {  	s7 =	sld [smem:$0x3F9D]  }
0x1a: {  	s8 =	sadd.s32 $0xFFFFE003, lr  }
0x1b: {  	s9 =	sadd.s32 $0xFFFFFEF7, lr;
	s5 =	simm.s32 $0xFFFFFFFF;
	p2 =	slt.u32 s8, $0xFFFFF086  }
0x1c: {  	p1 =	slt.u32 s9, $0xF7A;
	s5 =	simm.s32 @!p2 $0x0  }
0x1d: {  	s5 =	simm.s32 @p1 $0x1;
	p0 =	seq.s32 s7, s2  }
0x1e: {  	s7 =	smul.u32 @!p0 $0xF7A, s2;
	p2 =	seq.s32 @!p0 s5, $0x0  }
0x1f: {  	s9 =	smul.u32 $0xF7A, s1;
	s8 =	simm.s32 @!p0 $0x1BF5;
	p2 =	por !p2, p0  }
0x20: {  	[sflag:s8] =	ssyncset.s32 @!p0 $0xFFFFF086;
	s6 =	sadd.s32 @!p0 s3, s7;
	s7 =	simm.s32 @!p0 $0x108  }
0x21: {  	s3 =	sadd.s32 s3, s9;
	s6 =	sadd.s32 @!p0 $0x88, s6;
	s7 =	simm.s32 @p2 $0x1082  }
0x22: {  	[simem:s7], [sflag:s8] =	dma.local @!p0 [hbm:s6], $0xF7A  }
0x23: {  	s9 =	sor.u32 $0xD0000000, s2;
	s6 =	simm.s32 $0x108;
	_ =	swait.ge @!p0 [sflag:s8], $0x0  }
0x24: {  	s3 =	sadd.s32 $0x88, s3;
	s6 =	simm.s32 @!p1 $0x1082;
	[sflag:s4] =	ssyncset.s32 $0xFFFFF086  }
0x25: {  	[simem:s6], [sflag:s4] =	dma.local [hbm:s3], $0xF7A  }
0x26: {  	[smem:$0x3F9D] =	sst s1;
	(tag) =	ssettag s2;
	_ =	strace s9  }
0x27: {  	s1 =	sld [smem:$0x3FAD]  }
0x28: {  	s2 =	sld [smem:$0x3FAE]  }
0x29: {  	s4 =	sld [smem:$0x3FB0]  }
0x2a: {  	p0 =	seq.s32 s5, $0x0;
	s5 =	sld [smem:$0x3FB1]  }
0x2b: {  	s6 =	sld [smem:$0x3FB2]  }
0x2c: {  	s7 =	sld [smem:$0x3FB3]  }
0x2d: {  	s3 =	simm.s32 $0x108;
	s8 =	sld [smem:$0x3FB4]  }
0x2e: {  	s3 =	simm.s32 @!p0 $0x1082;
	s9 =	sld [smem:$0x3FB5]  }
0x2f: {  	lr =	sadd.s32 s0, s3;
	s0 =	sld [smem:$0x3FAC]  }
0x30: {  	s3 =	sld [smem:$0x3FAF]  }
0x31: {  	[smem:$0x3FB8] =	sst s10  }
0x32: {  	s10 =	sld [smem:$0x3FB6];
	_ =	sdelay $0x3  }
0x33: {  	p0 =	seq.s32 s10, $0x1;
	s10 =	sld [smem:$0x3FB8];
	_ =	sdelay $0x3  }
0x34: {  	[smem:$0x3FB8] =	sst s10  }
0x35: {  	s10 =	sld [smem:$0x3FB7];
	_ =	sdelay $0x3  }
0x36: {  	p1 =	seq.s32 s10, $0x1;
	s10 =	sld [smem:$0x3FB8];
	_ =	sdelay $0x3  }
0x37: {  	[smem:$0x3FB8] =	sst s10  }
0x38: {  	s10 =	sld [smem:$0x3FB9]  }
0x39: {  	_ = 	snop;
	(pc) =	sbr.ind lr, $3  }
0x3a: {  	_ = 	snop  }
0x3b: {  	_ = 	snop  }
0x3c: {  	p2 =	seq.s32 s10, $0x1;
	s10 =	sld [smem:$0x3FB8]  }
0x3d: {  	_ =	shalt  }
0x3e: {  	_ =	shalt  }
0x3f: {  	_ =	shalt  }
0x40: {  	_ =	shalt  }
0x41: {  	_ =	shalt  }
0x42: {  	_ =	shalt  }
0x43: {  	_ =	shalt  }
0x44: {  	_ =	shalt  }
0x45: {  	_ =	shalt  }
0x46: {  	_ =	shalt  }
0x47: {  	_ =	shalt  }
0x48: {  	_ =	shalt  }
0x49: {  	_ =	shalt  }
0x4a: {  	_ =	shalt  }
0x4b: {  	_ =	shalt  }
0x4c: {  	_ =	shalt  }
0x4d: {  	_ =	shalt  }
0x4e: {  	_ =	shalt  }
0x4f: {  	_ =	shalt  }
0x50: {  	_ =	shalt  }
0x51: {  	_ =	shalt  }
0x52: {  	_ =	shalt  }
0x53: {  	_ =	shalt  }
0x54: {  	_ =	shalt  }
0x55: {  	_ =	shalt  }
0x56: {  	_ =	shalt  }
0x57: {  	_ =	shalt  }
0x58: {  	_ =	shalt  }
0x59: {  	_ =	shalt  }
0x5a: {  	_ =	shalt  }
0x5b: {  	_ =	shalt  }
0x5c: {  	_ =	shalt  }
0x5d: {  	_ =	shalt  }
0x5e: {  	_ =	shalt  }
0x5f: {  	_ =	shalt  }
0x60: {  	_ =	shalt  }
0x61: {  	_ =	shalt  }
0x62: {  	_ =	shalt  }
0x63: {  	_ =	shalt  }
0x64: {  	_ =	shalt  }
0x65: {  	_ =	shalt  }
0x66: {  	_ =	shalt  }
0x67: {  	_ =	shalt  }
0x68: {  	_ =	shalt  }
0x69: {  	_ =	shalt  }
0x6a: {  	_ =	shalt  }
0x6b: {  	_ =	shalt  }
0x6c: {  	_ =	shalt  }
0x6d: {  	_ =	shalt  }
0x6e: {  	_ =	shalt  }
0x6f: {  	_ =	shalt  }
0x70: {  	_ =	shalt  }
0x71: {  	_ =	shalt  }
0x72: {  	_ =	shalt  }
0x73: {  	_ =	shalt  }
0x74: {  	_ =	shalt  }
0x75: {  	_ =	shalt  }
0x76: {  	_ =	shalt  }
0x77: {  	_ =	shalt  }
0x78: {  	_ =	shalt  }
0x79: {  	_ =	shalt  }
0x7a: {  	_ =	shalt  }
0x7b: {  	_ =	shalt  }
0x7c: {  	_ =	shalt  }
0x7d: {  	_ =	shalt  }
0x7e: {  	_ =	shalt  }
0x7f: {  	_ =	shalt  }
0x80: {  	_ =	shalt  }
0x81: {  	_ =	shalt  }
0x82: {  	_ =	shalt  }
0x83: {  	_ =	shalt  }
0x84: {  	_ =	shalt  }
0x85: {  	_ =	shalt  }
0x86: {  	_ =	shalt  }
0x87: {  	_ =	shalt  }
.Lfunc_end0:
.L_simem_size_0:
called_computation_lowered:
.L_overlay_start_0:
0x88: {  	s2 =	sld [smem:$0x3FD9]  }
0x89: {  	s3 =	sld [smem:$0x3FFE];
	_ =	sdelay $0x1  }
0x8a: {  	s1 =	srdreg.scid  }
0x8b: {  	s0 =	sand.u32 $0x1, s1  }
0x8c: {  	s17 =	sshll.u32 s0, $0xA;
	s2 =	sadd.s32 s3, s2  }
0x8d: {  	s2 =	sadd.s32 s2, s17  }
0x8e: {  	[smem:$0x3FC4] =	sst s2  }
0x8f: {  	_ = 	snop  }
0x90: {  	s2 =	sld [smem:$0x3FC6]  }
0x91: {  	s18 =	sld [smem:$0x3FD0];
	(tm) =	ssettm $0x1  }
0x92: {  	s4 =	sld [smem:$0x3FFB];
	_ =	sdelay $0x3  }
0x93: {  	_ =	strace s4  }
0x94: {  	s4 =	sld [smem:$0x3FFC];
	_ =	sdelay $0x3  }
0x95: {  	_ =	strace s4  }
0x96: {  	s4 =	sld [smem:$0x3FFD];
	_ =	sdelay $0x3  }
0x97: {  	_ =	strace s4  }
0x98: {  	_ =	strace $0x8FFFFFFF  }
0x99: {  	s19 =	sld [smem:$0x3FDB];
	_ =	sdelay $0x1  }
0x9a: {  	s5 =	simm.s32 $_scs_section_size  }
0x9b: {  	s6 =	simm.s32 $_size__tile_overlayer_lowered;
	s7 =	simm.s32 $_tile_overlayer_lowered  }
0x9c: {  	s22 =	simm.s32 $0x1BFF;
	s21 =	sshll.u32 s7, $0x1;
	s4 =	sadd.s32 s5, s19  }
0x9d: {  	s8 =	simm.s32 $0x0;
	s20 =	sshll.u32 s6, $0x1;
	s6 =	sadd.s32 s21, s4  }
0x9e: {  	[timem:s8], [sflag:s22] =	dma.local [hbm:s6], s20  }
0x9f: {  	_ =	swait.ge [sflag:s22], s20  }
0xa0: {  	s5 =	ssub.s32 $0x0, s20;
	[sflag:s22] =	ssyncset.done $0x0  }
0xa1: {  	[sflag:s22] =	ssyncadd.s32 s5;
	_ =	sdelay $0x1  }
0xa2: {  	s23 =	simm.s32 $0x1B8B  }
0xa3: {  	_ =	swait.ge [sflag:s23], $0x1  }
0xa4: {  	[sflag:s23] =	ssyncset.done $0x0  }
0xa5: {  	s25 =	simm.s32 $0x1B8E;
	s24 =	sld [smem:$0x3FFE];
	[sflag:s23] =	ssyncadd.s32 $0xFFFFFFFF  }
0xa6: {  	s26 =	simm.s32 $execute0_lowered;
	[smem:$0x3FD2] =	sst s25  }
0xa7: {  	s6 =	sshll.u32 s26, $0x1;
	_ =	strace $0x80000046;
	[dreg:$0x1] =	wrdreg $0xFFFFFFFF  }
0xa8: {  	s28 =	simm.s32 $_size_execute0_lowered;
	s4 =	sadd.s32 s4, s6;
	[dreg:$0x0] =	wrdreg $0x0  }
0xa9: {  	s6 =	sshll.u32 s28, $0x1;
	[dreg:$0x2] =	wrdreg s4  }
0xaa: {  	[dreg:$0x3] =	wrdreg s6  }
0xab: {  	[dreg:$0x4] =	wrdreg $0xC0  }
0xac: {  	_ =	task [dreg:s8], $0x5FFFF  }
0xad: {  	[dreg:$0x1] =	wrdreg $0xFFFFFFFF  }
0xae: {  	[dreg:$0x0] =	wrdreg $0x60  }
0xaf: {  	[dreg:$0x2] =	wrdreg s24  }
0xb0: {  	[dreg:$0x3] =	wrdreg s2  }
0xb1: {  	[dreg:$0x4] =	wrdreg s18  }
0xb2: {  	[dreg:$0x5] =	wrdreg $0x9  }
0xb3: {  	_ =	task.clear_ibuf [dreg:s8], $0x6FFFF;
	_ =	strace $0x90000046  }
0xb4: {  	s29 =	simm.s32 $0x9;
	_ =	strace $0x80000048  }
0xb5: {  	_ =	swait.ge [sflag:s29], $0x1  }
0xb6: {  	[sflag:s29] =	ssyncadd.s32 $0xFFFFFFFF  }
0xb7: {  	_ =	strace $0x90000048  }
0xb8: {  	_ =	sfence  }
0xb9: {  	s30 =	sld [smem:$0x0];
	_ =	sdelay $0x2  }
0xba: {  	s31 =	sshll.u32 s1, $0xD;
	s1 =	sshrl.u32 s1, $0x2  }
0xbb: {  	s3 =	sand.u32 $0x4000, s31;
	s1 =	sadd.s32 s1, s30  }
0xbc: {  	s0 =	sor.u32 s3, s0;
	s1 =	sshll.u32 s1, $0x11  }
0xbd: {  	s0 =	sor.u32 s1, s0  }
0xbe: {  	s0 =	sadd.s32 $0x8F2B, s0  }
0xbf: {  	[sflag:s0] =	ssyncadd.remote.s32 $0x1  }
0xc0: {  	_ =	sfence.sel $0xFFFF  }
0xc1: {  	[dreg:$0x0] =	wrdreg $0xFFFFFFFF;
	(pc) =	sbr.abs _section_cstart, $3  }
0xc2: {  	[dreg:$0x1] =	wrdreg $0xFFFFFFFF  }
0xc3: {  	_ =	task.clear_ibuf [dreg:s8], $0x2FFFF;
	_ =	strace $0x9FFFFFFF  }
0xc4: {  	(tm) =	ssettm $0x7FFFFFFF  }
0xc5: {  	_ =	shalt  }
tec
execute0_lowered:
.L_overlay_start_1:
0x0: {  	(tag) =	ssettag $0x1  }
0x1: {  	s6 =	rddreg [dreg:$0x0]  }
0x2: {  	s1 =	rddreg [dreg:$0x1]  }
0x3: {  	s9 =	rddreg [dreg:$0x2]  }
0x4: {  	s3 =	simm.s32 $0x0;
	s4 =	srdreg.scid;
	s2 =	stileid.u32  }
0x5: {  	s13 =	simm.s32 $0x2F40;
	s14 =	simm.s32 $0x1;
	s15 =	simm.s32 $0x2  }
0x6: {  	s16 =	simm.s32 $0x80;
	s17 =	simm.s32 $0x800;
	s18 =	simm.s32 $0x4  }
0x7: {  	s19 =	simm.s32 $0x3;
	s20 =	simm.s32 $0x5;
	s21 =	simm.s32 $0x3850  }
0x8: {  	s22 =	simm.s32 $0x6;
	s23 =	simm.s32 $0x0;
	[smem:$0x7FF] =	sst s3  }
0x9: {  	s7 =	sand.u32 $0x1, s4;
	s5 =	sshll.u32 s2, $0x1;
	s4 =	sadd.s32 $0x3200, s6  }
0xa: {  	s11 =	sshll.u32 s2, $0x6;
	_ =	strace $0x80000047;
	s8 =	sor.u32 s7, s5  }
0xb: {  	v0 =	vimm.s32 $0x1;
	v1 =	vimm.s32 $0x2;
	s5 =	sadd.s32 $0x2E00, s6;
	s11 =	sand.u32 $0x380, s11;
	s7 =	ssub.s32 $0x2, s7  }
0xc: {  	v2 =	vimm.s32 $0x3;
	v3 =	vimm.s32 $0x4;
	v4 =	vimm.s32 $0x5;
	s10 =	sshll.u32 s8, $0x4;
	s8 =	sshll.u32 s8, $0x8;
	s31 =	sshrl.u32 s7, $0x1  }
0xd: {  	v5 =	vimm.s32 $0x6;
	v6 =	vimm.s32 $0x7;
	v7 =	vimm.s32 $0x8;
	s12 =	sand.u32 $0x30, s10;
	s8 =	sadd.s32 s8, s6;
	s9 =	sadd.s32 s9, s10  }
0xe: {  	v8 =	vimm.s32 $0x9;
	v9 =	vimm.s32 $0xA;
	v10 =	vimm.s32 $0xB;
	s11 =	sor.u32 s11, s12;
	s12 =	ssub.s32 s7, s31;
	s8 =	sadd.s32 $0xA00, s8  }
0xf: {  	v11 =	vimm.s32 $0xC;
	v12 =	vimm.s32 $0xD;
	v15 =	vlaneseq.u32;
	s11 =	sadd.s32 s11, s6;
	s10 =	smax.u32 s12, $0x1;
	s12 =	simm.s32 $0x3840  }
0x10: {  	v13 =	vimm.s32 $0xE;
	v14 =	vimm.s32 $0xF;
	v15 =	vmul.u32 $0x10, v15;
	s6 =	sadd.s32 $0x2A00, s11;
	s7 =	sadd.s32 $0x2A40, s11;
	s11 =	simm.s32 $0x1000  }
.LBB2_1:
0x11: {  	s24 =	simm.s32 $0x3740  }
0x12: {  	[tilespmem:s24], [sflag:$0x1] =	stream.linear.gather [hbm4b:s6+s3], $0x80, $0x38;
	[tilespmem:$0x38D0] =	vst v63  }
0x13: {  	s25 =	simm.s32 $0x37C0  }
0x14: {  	[tilespmem:s25], [sflag:$0x2] =	stream.linear.gather [hbm4b:s7+s3], $0x80, $0x38;
	[tilespmem:$0x38D0] =	vst v63  }
0x15: {  	_ = 	snop  }
0x16: {  	[tilespmem:s11], [sflag:$0x3] =	stream.linear.gather [hbm4b:s5+s3], $0x1F40, $0x38;
	[tilespmem:$0x38D0] =	vst v63  }
0x17: {  	_ = 	snop  }
0x18: {  	[tilespmem:s12], [sflag:$0x4] =	stream.linear.gather [hbm4b:s1+s3], $0x10, $0x38;
	[tilespmem:$0x38D0] =	vst v63  }
0x19: {  	_ = 	snop  }
0x1a: {  	[tilespmem:s13], [sflag:$0x5] =	stream.linear.gather [hbm4b:s8+s3], $0x800, $0x38;
	[tilespmem:$0x38D0] =	vst v63  }
0x1b: {  	_ =	swait.ge [sflag:s14], $0x80  }
0x1c: {  	[sflag:s14] =	ssyncset.done $0x0  }
0x1d: {  	[sflag:s14] =	ssyncadd.s32 $0xFFFFFF80  }
0x1e: {  	_ =	swait.ge [sflag:s15], $0x80  }
0x1f: {  	[sflag:s15] =	ssyncset.done $0x0  }
0x20: {  	[sflag:s15] =	ssyncadd.s32 $0xFFFFFF80  }
0x21: {  	[tilespmem:s3], [sflag:$0x1] =	stream.indirect.gather [hbm4b:s4+s16], $0x10, s24, s16, $0xb8;
	[tilespmem:$0x38D0] =	vst v63  }
0x22: {  	_ = 	snop  }
0x23: {  	[tilespmem:s17], [sflag:$0x2] =	stream.indirect.gather [hbm4b:s4+s16], $0x10, s25, s16, $0xb8;
	[tilespmem:$0x38D0] =	vst v63  }
0x24: {  	_ =	swait.ge [sflag:s18], $0x10  }
0x25: {  	[sflag:s18] =	ssyncset.done $0x0  }
0x26: {  	[sflag:s18] =	ssyncadd.s32 $0xFFFFFFF0  }
0x27: {  	v16 =	vld [tilespmem:$0x3840];
	_ =	sdelay $0x4  }
0x28: {  	v16 =	vmul.f32 v16, v16;
	_ =	sdelay $0x1  }
0x29: {  	[tilespmem:$0x3840] =	vst v16  }
0x2a: {  	v17 =	vld.msk [tilespmem:s12+$0x0], $0xffff  }
0x2b: {  	v18 =	vld.idx.msk [tilespmem:v0+s12+$0x0], $0xffff  }
0x2c: {  	v19 =	vld.idx.msk [tilespmem:v1+s12+$0x0], $0xffff  }
0x2d: {  	v20 =	vld.idx.msk [tilespmem:v2+s12+$0x0], $0xffff  }
0x2e: {  	v21 =	vld.idx.msk [tilespmem:v3+s12+$0x0], $0xffff  }
0x2f: {  	v23 =	vld.idx.msk [tilespmem:v4+s12+$0x0], $0xffff  }
0x30: {  	v24 =	vld.idx.msk [tilespmem:v5+s12+$0x0], $0xffff  }
0x31: {  	v25 =	vld.idx.msk [tilespmem:v6+s12+$0x0], $0xffff  }
0x32: {  	v26 =	vld.idx.msk [tilespmem:v7+s12+$0x0], $0xffff  }
0x33: {  	v28 =	vld.idx.msk [tilespmem:v8+s12+$0x0], $0xffff  }
0x34: {  	v29 =	vld.idx.msk [tilespmem:v9+s12+$0x0], $0xffff  }
0x35: {  	v30 =	vld.idx.msk [tilespmem:v10+s12+$0x0], $0xffff  }
0x36: {  	v31 =	vld.idx.msk [tilespmem:v11+s12+$0x0], $0xffff  }
0x37: {  	v27 =	vld.idx.msk [tilespmem:v12+s12+$0x0], $0xffff  }
0x38: {  	v22 =	vld.idx.msk [tilespmem:v13+s12+$0x0], $0xffff  }
0x39: {  	v16 =	vld.idx.msk [tilespmem:v14+s12+$0x0], $0xffff;
	_ =	swait.ge [sflag:s19], $0x1F40  }
0x3a: {  	[sflag:s19] =	ssyncset.done $0x0  }
0x3b: {  	[sflag:s19] =	ssyncadd.s32 $0xFFFFE0C0  }
0x3c: {  	_ =	swait.ge [sflag:s20], $0x800  }
0x3d: {  	[sflag:s20] =	ssyncset.done $0x0  }
0x3e: {  	v32 =	vmov s3;
	[sflag:s20] =	ssyncadd.s32 $0xFFFFF800  }
0x3f: {  	v32 =	vshll.u32 v32, $0x4;
	_ =	swait.ge [sflag:s14], $0x800  }
0x40: {  	v33 =	vor.u32 v15, v32;
	[sflag:s14] =	ssyncset.done $0x0  }
0x41: {  	v32 =	vor.u32 $0x5, v33;
	[sflag:s14] =	ssyncadd.s32 $0xFFFFF800  }
0x42: {  	_ =	swait.ge [sflag:s15], $0x800  }
0x43: {  	v34 =	vor.u32 $0x4, v33;
	[sflag:s15] =	ssyncset.done $0x0  }
0x44: {  	v35 =	vor.u32 $0x2, v33;
	[sflag:s15] =	ssyncadd.s32 $0xFFFFF800  }
0x45: {  	v36 =	vld.idx.msk [tilespmem:v33+s17+$0x0], $0xffff  }
0x46: {  	v37 =	vld.idx.msk [tilespmem:v32+s13+$0x0], $0xffff  }
0x47: {  	v38 =	vor.u32 $0x1, v33;
	v39 =	vld.idx.msk [tilespmem:v32+s3+$0x0], $0xffff  }
0x48: {  	v40 =	vld.idx.msk [tilespmem:v34+s13+$0x0], $0xffff  }
0x49: {  	v41 =	vld.idx.msk [tilespmem:v35+s13+$0x0], $0xffff  }
0x4a: {  	v42 =	vld.idx.msk [tilespmem:v35+s3+$0x0], $0xffff  }
0x4b: {  	v35 =	vld.idx.msk [tilespmem:v35+s17+$0x0], $0xffff  }
0x4c: {  	v43 =	vld.idx.msk [tilespmem:v38+s17+$0x0], $0xffff  }
0x4d: {  	v44 =	vor.u32 $0x3, v33;
	v45 =	vld.idx.msk [tilespmem:v38+s13+$0x0], $0xffff  }
0x4e: {  	v38 =	vld.idx.msk [tilespmem:v38+s3+$0x0], $0xffff  }
0x4f: {  	v46 =	vld.idx.msk [tilespmem:v33+s3+$0x0], $0xffff  }
0x50: {  	v47 =	vld.idx.msk [tilespmem:v33+s13+$0x0], $0xffff  }
0x51: {  	v51 =	vor.u32 $0x6, v33;
	v50 =	vld.idx.msk [tilespmem:v34+s3+$0x0], $0xffff  }
0x52: {  	v53 =	vld.idx.msk [tilespmem:v44+s3+$0x0], $0xffff  }
0x53: {  	v55 =	vld.idx.msk [tilespmem:v44+s13+$0x0], $0xffff  }
0x54: {  	v57 =	vld.idx.msk [tilespmem:v32+s17+$0x0], $0xffff  }
0x55: {  	v48 =	vor.u32 $0xD, v33;
	v44 =	vld.idx.msk [tilespmem:v44+s17+$0x0], $0xffff;
	v42 =	vsub.f32 v41, v42  }
0x56: {  	v58 =	vor.u32 $0x7, v33;
	v61 =	vld.idx.msk [tilespmem:v51+s17+$0x0], $0xffff;
	v35 =	vsub.f32 v41, v35;
	v43 =	vsub.f32 v45, v43  }
0x57: {  	v49 =	vor.u32 $0x8, v33;
	v59 =	vld.idx.msk [tilespmem:v51+s13+$0x0], $0xffff;
	v38 =	vsub.f32 v45, v38;
	v60 =	vsub.f32 v47, v46  }
0x58: {  	v52 =	vor.u32 $0x9, v33;
	v51 =	vld.idx.msk [tilespmem:v51+s3+$0x0], $0xffff;
	v50 =	vsub.f32 v40, v50;
	v39 =	vsub.f32 v37, v39  }
0x59: {  	v54 =	vor.u32 $0xC, v33;
	v34 =	vld.idx.msk [tilespmem:v34+s17+$0x0], $0xffff;
	v36 =	vsub.f32 v47, v36;
	v37 =	vsub.f32 v37, v57  }
0x5a: {  	v62 =	vsub.f32 v55, v53;
	v42 =	vmul.f32 v42, v42;
	v35 =	vmul.f32 v35, v35  }
0x5b: {  	v44 =	vsub.f32 v55, v44;
	v55 =	vld.idx.msk [tilespmem:v58+s17+$0x0], $0xffff;
	v43 =	vmul.f32 v43, v43;
	v38 =	vmul.f32 v38, v38  }
0x5c: {  	v46 =	vsub.f32 v59, v61;
	v57 =	vld.idx.msk [tilespmem:v58+s13+$0x0], $0xffff;
	v45 =	vmul.f32 v60, v60;
	v39 =	vmul.f32 v39, v39  }
0x5d: {  	v63 =	vsub.f32 v59, v51;
	v51 =	vld.idx.msk [tilespmem:v58+s3+$0x0], $0xffff;
	v36 =	vmul.f32 v36, v36;
	v37 =	vmul.f32 v37, v37  }
0x5e: {  	v58 =	vld.idx.msk [tilespmem:v49+s13+$0x0], $0xffff;
	v34 =	vsub.f32 v40, v34;
	v47 =	vmul.f32 v62, v62;
	v44 =	vmul.f32 v44, v44  }
0x5f: {  	v41 =	vor.u32 $0xB, v33;
	v61 =	vld.idx.msk [tilespmem:v49+s3+$0x0], $0xffff;
	v50 =	vmul.f32 v50, v50;
	v60 =	vmul.f32 v46, v46  }
0x60: {  	v56 =	vor.u32 $0xE, v33;
	v34 =	vmul.f32 v34, v34;
	v42 =	vmul.f32 v42, v19  }
0x61: {  	v32 =	vor.u32 $0xF, v33;
	v62 =	vld.idx.msk [tilespmem:v49+s17+$0x0], $0xffff;
	v35 =	vmul.f32 v35, v19;
	v45 =	vmul.f32 v45, v17  }
0x62: {  	v33 =	vor.u32 $0xA, v33;
	v43 =	vmul.f32 v43, v18;
	v38 =	vmul.f32 v38, v18  }
0x63: {  	v53 =	vld.idx.msk [tilespmem:v52+s3+$0x0], $0xffff;
	v36 =	vmul.f32 v36, v17;
	v51 =	vsub.f32 v57, v51;
	v45 =	vadd.f32 $0.0e+00, v45  }
0x64: {  	v39 =	vmul.f32 v39, v23;
	v57 =	vsub.f32 v57, v55;
	v46 =	vsub.f32 v58, v61;
	v49 =	vld.idx.msk [tilespmem:v41+s13+$0x0], $0xffff  }
0x65: {  	v37 =	vmul.f32 v37, v23;
	v55 =	vld.idx.msk [tilespmem:v54+s13+$0x0], $0xffff;
	v36 =	vadd.f32 $0.0e+00, v36;
	v38 =	vadd.f32 v38, v45  }
0x66: {  	v59 =	vmul.f32 v47, v20;
	v47 =	vsub.f32 v58, v62;
	v62 =	vmul.f32 v46, v46;
	v46 =	vld.idx.msk [tilespmem:v41+s3+$0x0], $0xffff  }
0x67: {  	v44 =	vmul.f32 v44, v20;
	v41 =	vld.idx.msk [tilespmem:v41+s17+$0x0], $0xffff;
	v36 =	vadd.f32 v43, v36;
	v38 =	vadd.f32 v42, v38  }
0x68: {  	v40 =	vmul.f32 v60, v24;
	v58 =	vld.idx.msk [tilespmem:v54+s3+$0x0], $0xffff;
	v45 =	vmul.f32 v63, v63  }
0x69: {  	v63 =	vmul.f32 v50, v21;
	v50 =	vld.idx.msk [tilespmem:v52+s13+$0x0], $0xffff;
	v35 =	vadd.f32 v35, v36;
	v38 =	vadd.f32 v59, v38  }
0x6a: {  	v34 =	vmul.f32 v34, v21;
	v60 =	vmul.f32 v57, v57;
	v42 =	vld.idx.msk [tilespmem:v52+s17+$0x0], $0xffff  }
0x6b: {  	v43 =	vmul.f32 v62, v26;
	v52 =	vld.idx.msk [tilespmem:v33+s3+$0x0], $0xffff;
	v35 =	vadd.f32 v44, v35;
	v38 =	vadd.f32 v63, v38  }
0x6c: {  	v57 =	vmul.f32 v47, v47;
	v59 =	vmul.f32 v51, v51;
	v51 =	vld.idx.msk [tilespmem:v33+s17+$0x0], $0xffff;
	v41 =	vsub.f32 v49, v41  }
0x6d: {  	v45 =	vmul.f32 v45, v24;
	v33 =	vld.idx.msk [tilespmem:v33+s13+$0x0], $0xffff;
	v34 =	vadd.f32 v34, v35;
	v38 =	vadd.f32 v39, v38  }
0x6e: {  	v61 =	vmul.f32 v59, v25;
	v63 =	vsub.f32 v50, v53;
	v35 =	vmul.f32 v57, v26  }
0x6f: {  	v41 =	vmul.f32 v41, v41;
	v34 =	vadd.f32 v37, v34;
	v38 =	vadd.f32 v45, v38  }
0x70: {  	v42 =	vsub.f32 v50, v42;
	v50 =	vsub.f32 v49, v46;
	v53 =	vmul.f32 v63, v63  }
0x71: {  	v59 =	vld.idx.msk [tilespmem:v54+s17+$0x0], $0xffff;
	v34 =	vadd.f32 v40, v34;
	v36 =	vadd.f32 v61, v38;
	v38 =	vmul.f32 v60, v25  }
0x72: {  	v62 =	vld.idx.msk [tilespmem:v48+s13+$0x0], $0xffff;
	v39 =	vmul.f32 v53, v28;
	v53 =	vsub.f32 v55, v58;
	v60 =	vsub.f32 v33, v52  }
0x73: {  	v54 =	vld.idx.msk [tilespmem:v56+s3+$0x0], $0xffff;
	v42 =	vmul.f32 v42, v42;
	v33 =	vsub.f32 v33, v51;
	v34 =	vadd.f32 v38, v34  }
0x74: {  	v40 =	vmul.f32 v50, v50;
	v51 =	vld.idx.msk [tilespmem:v48+s3+$0x0], $0xffff;
	v36 =	vadd.f32 v43, v36;
	v63 =	vmul.f32 v60, v60  }
0x75: {  	v61 =	vmul.f32 v42, v28;
	v52 =	vld.idx.msk [tilespmem:v48+s17+$0x0], $0xffff;
	v33 =	vmul.f32 v33, v33;
	v34 =	vadd.f32 v35, v34  }
0x76: {  	v43 =	vsub.f32 v55, v59;
	v55 =	vld.idx.msk [tilespmem:v56+s13+$0x0], $0xffff;
	v36 =	vadd.f32 v39, v36;
	v39 =	vmul.f32 v63, v29  }
0x77: {  	v41 =	vmul.f32 v41, v30;
	v59 =	vld.idx.msk [tilespmem:v56+s17+$0x0], $0xffff;
	v33 =	vmul.f32 v33, v29;
	v37 =	vadd.f32 v61, v34  }
0x78: {  	v57 =	vmul.f32 v53, v53;
	v60 =	vmul.f32 v40, v30;
	v36 =	vadd.f32 v39, v36;
	v34 =	vld.idx.msk [tilespmem:v32+s17+$0x0], $0xffff  }
0x79: {  	v58 =	vmul.f32 v43, v43;
	v61 =	vsub.f32 v62, v51;
	v37 =	vadd.f32 v33, v37;
	v33 =	vld.idx.msk [tilespmem:v32+s3+$0x0], $0xffff  }
0x7a: {  	v42 =	vsub.f32 v62, v52;
	v62 =	vmul.f32 v57, v31;
	v36 =	vadd.f32 v60, v36;
	v32 =	vld.idx.msk [tilespmem:v32+s13+$0x0], $0xffff  }
0x7b: {  	v35 =	vmul.f32 v58, v31;
	v63 =	vmul.f32 v61, v61  }
0x7c: {  	s28 =	simm.s32 $0x10;
	s31 =	simm.s32 $0x3850;
	v38 =	vmul.f32 v42, v42;
	v40 =	vsub.f32 v55, v54;
	v36 =	vadd.f32 v62, v36  }
0x7d: {  	s30 =	simm.s32 $0x3740;
	s29 =	simm.s32 $0x37C0;
	s26 =	simm.s32 $0x3850;
	v37 =	vadd.f32 v41, v37;
	v39 =	vmul.f32 v63, v27;
	v41 =	vsub.f32 v55, v59  }
.LBB2_2:
0x7e: {  	v38 =	vmul.f32 v38, v27;
	v40 =	vmul.f32 v40, v40;
	s24 =	sadd.s32 $0x10, s24;
	s25 =	sadd.s32 $0x10, s25;
	s31 =	sadd.s32 $0x10, s31  }
0x7f: {  	p0 =	sne.s32 s28, $0x70;
	v34 =	vsub.f32 v32, v34;
	s0 =	smov.u32 s28;
	s28 =	sadd.s32 $0x10, s28;
	v36 =	vadd.f32 v39, v36;
	v39 =	vmul.f32 v41, v41  }
0x80: {  	v32 =	vsub.f32 v32, v33;
	v35 =	vadd.f32 v35, v37;
	v37 =	vmul.f32 v40, v22  }
0x81: {  	v34 =	vmul.f32 v34, v34;
	v33 =	vld [tilespmem:s30+$0x0];
	v39 =	vmul.f32 v39, v22;
	s30 =	smov.u32 s24  }
0x82: {  	v32 =	vmul.f32 v32, v32;
	v35 =	vadd.f32 v38, v35;
	v40 =	vld [tilespmem:s29+$0x0];
	v36 =	vadd.f32 v37, v36;
	s29 =	smov.u32 s25;
	_ =	sdelay $0x1  }
0x83: {  	v32 =	vmul.f32 v32, v16;
	v34 =	vmul.f32 v34, v16;
	v35 =	vadd.f32 v39, v35;
	_ =	sdelay $0x1  }
0x84: {  	v32 =	vadd.f32 v32, v36;
	v34 =	vadd.f32 v34, v35  }
0x85: {  	vm0 =	vlt.s32 v40, v33  }
0x86: {  	vm1 =	vlt.f32 v34, v32;
	vm2 =	veq.f32 v34, v32  }
0x87: {  	vm0 =	vmand vm0, vm2  }
0x88: {  	vm0 =	vmor vm1, vm0  }
0x89: {  	v32 =	vsel vm0, v40, v33  }
0x8a: {  	v32 =	vshll.u32 v32, $0x3;
	_ =	sdelay $0x3  }
0x8b: {  	v33 =	vmov s0  }
0x8c: {  	v33 =	vshll.u32 v33, $0x4;
	v37 =	vld.idx.msk [tilespmem:v32+s11+$0x0], $0xffff  }
0x8d: {  	v38 =	vor.u32 v15, v33  }
0x8e: {  	v39 =	vor.u32 $0x1, v38;
	v40 =	vor.u32 $0x2, v38;
	v34 =	vor.u32 $0xD, v38  }
0x8f: {  	v41 =	vor.u32 $0x4, v38;
	v42 =	vor.u32 $0x5, v38;
	v43 =	vor.u32 $0x8, v38  }
0x90: {  	v44 =	vor.u32 $0x9, v38;
	v36 =	vor.u32 $0xB, v38;
	v35 =	vor.u32 $0xC, v38  }
0x91: {  	v33 =	vor.u32 $0xE, v38;
	v32 =	vor.u32 $0xF, v38  }
0x92: {  	[tilespmem:s26+$0x0] =	vst v37;
	s26 =	smov.u32 s31  }
0x93: {  	v37 =	vld.idx.msk [tilespmem:v38+s17+$0x0], $0xffff  }
0x94: {  	v45 =	vld.idx.msk [tilespmem:v42+s13+$0x0], $0xffff  }
0x95: {  	v46 =	vld.idx.msk [tilespmem:v42+s3+$0x0], $0xffff  }
0x96: {  	v47 =	vld.idx.msk [tilespmem:v41+s13+$0x0], $0xffff  }
0x97: {  	v48 =	vor.u32 $0x3, v38;
	v49 =	vld.idx.msk [tilespmem:v41+s3+$0x0], $0xffff  }
0x98: {  	v50 =	vld.idx.msk [tilespmem:v40+s13+$0x0], $0xffff  }
0x99: {  	v51 =	vld.idx.msk [tilespmem:v40+s3+$0x0], $0xffff  }
0x9a: {  	v40 =	vld.idx.msk [tilespmem:v40+s17+$0x0], $0xffff  }
0x9b: {  	v41 =	vld.idx.msk [tilespmem:v41+s17+$0x0], $0xffff  }
0x9c: {  	v52 =	vld.idx.msk [tilespmem:v39+s17+$0x0], $0xffff  }
0x9d: {  	v53 =	vld.idx.msk [tilespmem:v39+s13+$0x0], $0xffff  }
0x9e: {  	v39 =	vld.idx.msk [tilespmem:v39+s3+$0x0], $0xffff  }
0x9f: {  	v55 =	vor.u32 $0x6, v38;
	v54 =	vld.idx.msk [tilespmem:v38+s3+$0x0], $0xffff  }
0xa0: {  	v56 =	vld.idx.msk [tilespmem:v48+s3+$0x0], $0xffff  }
0xa1: {  	v51 =	vsub.f32 v50, v51;
	v57 =	vld.idx.msk [tilespmem:v48+s13+$0x0], $0xffff  }
0xa2: {  	v40 =	vsub.f32 v50, v40;
	v58 =	vld.idx.msk [tilespmem:v38+s13+$0x0], $0xffff  }
0xa3: {  	v51 =	vmul.f32 v51, v51;
	v50 =	vsub.f32 v53, v52;
	v42 =	vld.idx.msk [tilespmem:v42+s17+$0x0], $0xffff  }
0xa4: {  	v40 =	vmul.f32 v40, v40;
	v39 =	vsub.f32 v53, v39;
	v48 =	vld.idx.msk [tilespmem:v48+s17+$0x0], $0xffff  }
0xa5: {  	v51 =	vmul.f32 v51, v19;
	v53 =	vor.u32 $0x7, v38;
	v50 =	vmul.f32 v50, v50;
	v52 =	vld.idx.msk [tilespmem:v55+s17+$0x0], $0xffff  }
0xa6: {  	v41 =	vsub.f32 v47, v41;
	v40 =	vmul.f32 v40, v19;
	v59 =	vld.idx.msk [tilespmem:v55+s13+$0x0], $0xffff  }
0xa7: {  	v47 =	vsub.f32 v47, v49;
	v39 =	vmul.f32 v39, v39;
	v49 =	vld.idx.msk [tilespmem:v55+s3+$0x0], $0xffff  }
0xa8: {  	v46 =	vsub.f32 v45, v46;
	v50 =	vmul.f32 v50, v18;
	v54 =	vsub.f32 v58, v54;
	v55 =	vld.idx.msk [tilespmem:v44+s3+$0x0], $0xffff  }
0xa9: {  	v37 =	vsub.f32 v58, v37;
	v39 =	vmul.f32 v39, v18;
	v42 =	vsub.f32 v45, v42;
	v45 =	vld.idx.msk [tilespmem:v44+s17+$0x0], $0xffff  }
0xaa: {  	v46 =	vmul.f32 v46, v46;
	v56 =	vsub.f32 v57, v56;
	v54 =	vmul.f32 v54, v54;
	v58 =	vld.idx.msk [tilespmem:v43+s17+$0x0], $0xffff  }
0xab: {  	v37 =	vmul.f32 v37, v37;
	v48 =	vsub.f32 v57, v48;
	v42 =	vmul.f32 v42, v42;
	v57 =	vld.idx.msk [tilespmem:v53+s17+$0x0], $0xffff  }
0xac: {  	v46 =	vmul.f32 v46, v23;
	v54 =	vmul.f32 v54, v17;
	v52 =	vsub.f32 v59, v52;
	v60 =	vld.idx.msk [tilespmem:v53+s13+$0x0], $0xffff  }
0xad: {  	v56 =	vmul.f32 v56, v56;
	v42 =	vmul.f32 v42, v23;
	v49 =	vsub.f32 v59, v49;
	v53 =	vld.idx.msk [tilespmem:v53+s3+$0x0], $0xffff  }
0xae: {  	v48 =	vmul.f32 v48, v48;
	v54 =	vadd.f32 $0.0e+00, v54;
	v52 =	vmul.f32 v52, v52;
	v59 =	vld.idx.msk [tilespmem:v43+s13+$0x0], $0xffff  }
0xaf: {  	v47 =	vmul.f32 v47, v47;
	v49 =	vmul.f32 v49, v49;
	v43 =	vld.idx.msk [tilespmem:v43+s3+$0x0], $0xffff  }
0xb0: {  	v48 =	vmul.f32 v48, v20;
	v39 =	vadd.f32 v39, v54;
	v52 =	vmul.f32 v52, v24;
	v44 =	vld.idx.msk [tilespmem:v44+s13+$0x0], $0xffff  }
0xb1: {  	v41 =	vmul.f32 v41, v41;
	v49 =	vmul.f32 v49, v24  }
0xb2: {  	v38 =	vor.u32 $0xA, v38;
	v39 =	vadd.f32 v51, v39;
	v51 =	vsub.f32 v60, v57  }
0xb3: {  	v37 =	vmul.f32 v37, v17;
	v54 =	vmul.f32 v56, v20;
	v53 =	vsub.f32 v60, v53  }
0xb4: {  	v47 =	vmul.f32 v47, v21;
	v51 =	vmul.f32 v51, v51;
	v56 =	vsub.f32 v59, v58  }
0xb5: {  	v39 =	vadd.f32 v54, v39;
	v53 =	vmul.f32 v53, v53;
	v43 =	vsub.f32 v59, v43  }
0xb6: {  	v37 =	vadd.f32 $0.0e+00, v37;
	v51 =	vmul.f32 v51, v25;
	v54 =	vsub.f32 v44, v55;
	v55 =	vld.idx.msk [tilespmem:v35+s17+$0x0], $0xffff  }
0xb7: {  	v39 =	vadd.f32 v47, v39;
	v47 =	vmul.f32 v53, v25;
	v53 =	vmul.f32 v56, v56;
	v56 =	vld.idx.msk [tilespmem:v38+s3+$0x0], $0xffff  }
0xb8: {  	v37 =	vadd.f32 v50, v37;
	v44 =	vsub.f32 v44, v45;
	v43 =	vmul.f32 v43, v43;
	v45 =	vld.idx.msk [tilespmem:v38+s17+$0x0], $0xffff  }
0xb9: {  	v39 =	vadd.f32 v46, v39;
	v50 =	vmul.f32 v54, v54;
	v46 =	vmul.f32 v53, v26;
	v38 =	vld.idx.msk [tilespmem:v38+s13+$0x0], $0xffff  }
0xba: {  	v37 =	vadd.f32 v40, v37;
	v40 =	vmul.f32 v43, v26;
	v43 =	vmul.f32 v44, v44;
	v44 =	vld.idx.msk [tilespmem:v36+s3+$0x0], $0xffff  }
0xbb: {  	v39 =	vadd.f32 v49, v39;
	v49 =	vmul.f32 v50, v28;
	v50 =	vld.idx.msk [tilespmem:v36+s13+$0x0], $0xffff  }
0xbc: {  	v41 =	vmul.f32 v41, v21;
	v37 =	vadd.f32 v48, v37;
	v43 =	vmul.f32 v43, v28;
	v36 =	vld.idx.msk [tilespmem:v36+s17+$0x0], $0xffff  }
0xbd: {  	v39 =	vadd.f32 v47, v39;
	v47 =	vld.idx.msk [tilespmem:v35+s13+$0x0], $0xffff  }
0xbe: {  	v37 =	vadd.f32 v41, v37;
	v35 =	vld.idx.msk [tilespmem:v35+s3+$0x0], $0xffff  }
0xbf: {  	v39 =	vadd.f32 v40, v39;
	v40 =	vsub.f32 v38, v56  }
0xc0: {  	v37 =	vadd.f32 v42, v37;
	v38 =	vsub.f32 v38, v45;
	v41 =	vld.idx.msk [tilespmem:v34+s13+$0x0], $0xffff  }
0xc1: {  	v39 =	vadd.f32 v49, v39;
	v40 =	vmul.f32 v40, v40;
	v42 =	vsub.f32 v50, v44;
	v44 =	vld.idx.msk [tilespmem:v34+s17+$0x0], $0xffff  }
0xc2: {  	v37 =	vadd.f32 v52, v37;
	v38 =	vmul.f32 v38, v38;
	v36 =	vsub.f32 v50, v36;
	v45 =	vld.idx.msk [tilespmem:v34+s3+$0x0], $0xffff  }
0xc3: {  	v34 =	vmul.f32 v40, v29;
	v40 =	vsub.f32 v47, v55;
	v48 =	vld.idx.msk [tilespmem:v33+s3+$0x0], $0xffff  }
0xc4: {  	v37 =	vadd.f32 v51, v37;
	v36 =	vmul.f32 v36, v36;
	v35 =	vsub.f32 v47, v35;
	v47 =	vld.idx.msk [tilespmem:v33+s13+$0x0], $0xffff  }
0xc5: {  	v49 =	vmul.f32 v38, v29;
	v38 =	vmul.f32 v42, v42;
	v39 =	vadd.f32 v34, v39;
	v34 =	vld.idx.msk [tilespmem:v32+s17+$0x0], $0xffff  }
0xc6: {  	v37 =	vadd.f32 v46, v37;
	v40 =	vmul.f32 v40, v40;
	v35 =	vmul.f32 v35, v35;
	v42 =	vld.idx.msk [tilespmem:v33+s17+$0x0], $0xffff  }
0xc7: {  	v38 =	vmul.f32 v38, v30;
	v46 =	vmul.f32 v36, v30;
	v36 =	vsub.f32 v41, v44;
	v33 =	vld.idx.msk [tilespmem:v32+s3+$0x0], $0xffff  }
.Ltmp0:
0xc8: {  	v37 =	vadd.f32 v43, v37;
	v43 =	vmul.f32 v35, v31;
	v41 =	vsub.f32 v41, v45;
	v32 =	vld.idx.msk [tilespmem:v32+s13+$0x0], $0xffff;
	(pc) =	sbr.rel @p0 .LBB2_2-.Ltmp0, $4  }
0xc9: {  	v39 =	vadd.f32 v38, v39;
	v35 =	vmul.f32 v40, v31;
	v38 =	vmul.f32 v36, v36  }
0xca: {  	v37 =	vadd.f32 v49, v37;
	v41 =	vmul.f32 v41, v41;
	v40 =	vsub.f32 v47, v48  }
0xcb: {  	v36 =	vadd.f32 v43, v39  }
0xcc: {  	v37 =	vadd.f32 v46, v37;
	v39 =	vmul.f32 v41, v27;
	v41 =	vsub.f32 v47, v42  }
0xcd: {  	v17 =	vmul.f32 v40, v40;
	v19 =	vsub.f32 v32, v34;
	v20 =	vmul.f32 v38, v27  }
0xce: {  	v23 =	vsub.f32 v32, v33;
	v18 =	vmul.f32 v41, v41;
	v21 =	vadd.f32 v35, v37  }
0xcf: {  	v24 =	vadd.f32 v39, v36;
	v17 =	vmul.f32 v17, v22;
	v19 =	vmul.f32 v19, v19  }
0xd0: {  	v60 =	vld [tilespmem:s30+$0x0];
	v61 =	vmul.f32 v23, v23;
	v18 =	vmul.f32 v18, v22;
	v20 =	vadd.f32 v20, v21  }
0xd1: {  	v62 =	vld [tilespmem:s29+$0x0];
	v17 =	vadd.f32 v17, v24  }
0xd2: {  	v63 =	vmul.f32 v61, v16;
	v16 =	vmul.f32 v19, v16;
	v18 =	vadd.f32 v18, v20;
	_ =	sdelay $0x1  }
0xd3: {  	v17 =	vadd.f32 v63, v17;
	v16 =	vadd.f32 v16, v18;
	_ =	sdelay $0x1  }
0xd4: {  	vm0 =	vlt.s32 v62, v60;
	vm1 =	veq.f32 v16, v17  }
0xd5: {  	vm2 =	vlt.f32 v16, v17;
	vm0 =	vmand vm0, vm1  }
0xd6: {  	vm0 =	vmor vm2, vm0  }
0xd7: {  	v16 =	vsel vm0, v62, v60  }
0xd8: {  	v16 =	vshll.u32 v16, $0x3;
	_ =	sdelay $0x4  }
0xd9: {  	v16 =	vld.idx.msk [tilespmem:v16+s11+$0x0], $0xffff;
	_ =	sdelay $0x2  }
0xda: {  	s23 =	sadd.s32 $0x1, s23  }
0xdb: {  	p0 =	sne.s32 s23, s10  }
.Ltmp1:
0xdc: {  	[tilespmem:s26+$0x0] =	vst v16;
	(pc) =	sbr.rel @p0 .LBB2_1-.Ltmp1, $4  }
0xdd: {  	[hbm4b:s9+s3] =	stream.linear.scatter [tilespmem:s21], [sflag:$0x6], $0x80, $0x38;
	[tilespmem:$0x38D0] =	vst v63  }
0xde: {  	_ =	swait.ge [sflag:s22], $0x80  }
0xdf: {  	[sflag:s22] =	ssyncset.done $0x0  }
0xe0: {  	[sflag:s22] =	ssyncadd.s32 $0xFFFFFF80  }
0xe1: {  	_ =	sfence.sel $0x180000  }
0xe2: {  	[bflag:$0x0] =	sbarrier.arrive $0xFFFF  }
0xe3: {  	_ =	strace $0x90000047  }
0xe4: {  	[bflag:$0x2] =	sbarrier.arrive $0xFFFF  }
0xe5: {  	p0 =	sne.s32 s2, $0x0;
	s0 =	rddreg [dreg:$0x3]  }
0xe6: {  	s0 =	sadd.s32 @!p0 $0x100000, s0  }
0xe7: {  	[sflag:s0] =	ssyncadd.tile.s32 @!p0 $0x1;
	_ =	shalt  }
.Lfunc_end2:
_tile_overlayer_lowered:
.L_overlay_start_2:
0xe8: {  	(tag) =	ssettag $0x2  }
0xe9: {  	s0 =	rddreg [dreg:$0x0];
	s2 =	stileid.u32  }
0xea: {  	s1 =	rddreg [dreg:$0x1];
	p0 =	sne.s32 s2, $0x0  }
0xeb: {  	s3 =	rddreg [dreg:$0x2];
	[bflag:$0x3] =	sbarrier.arrive $0xFFFF;
	s2 =	simm.s32 @!p0 $0x1C06  }
0xec: {  	[timem:s3], [sflag:s2] =	dma.local @!p0 [hbm:s0], s1  }
0xed: {  	s0 =	simm.s32 @!p0 $0x6  }
0xee: {  	_ =	swait.ge @!p0 [sflag:s0], s1  }
0xef: {  	s1 =	ssub.s32 @!p0 $0x0, s1;
	[sflag:s0] =	ssyncset.done @!p0 $0x0  }
0xf0: {  	[sflag:s0] =	ssyncadd.s32 @!p0 s1  }
0xf1: {  	[bflag:$0x3] =	sbarrier.arrive $0xFFFF  }
0xf2: {  	_ =	shalt  }

</sc_bundles>
